<compile_context>
chip_gen: v7x
topology: tpu7x:2x2x1
jax: 0.10.2.dev20260603
libtpu: 0.0.44.dev20260713+nightly
codegen_flags: <defaults>
</compile_context>

<pallas_src>
import functools

import jax
import jax.numpy as jnp
from jax import lax
from jax.experimental import pallas as pl
from jax.experimental.pallas import tpu as pltpu
from jax.experimental.pallas import tpu_sc as plsc

NC = 2
NS = 16
L = 16

_MESH = plsc.VectorSubcoreMesh(
    core_axis_name="c", subcore_axis_name="s", num_cores=NC, num_subcores=NS
)


def _sc_degrees(eif, e, n):
    e_per = e // NS
    chunk = 800
    assert e_per % chunk == 0 and chunk % 8 == 0
    nchunks = e_per // chunk

    @functools.partial(
        pl.kernel,
        out_type=jax.ShapeDtypeStruct((4 * n,), jnp.float32),
        mesh=_MESH,
        scratch_types=[
            pltpu.VMEM((chunk,), jnp.int32),
            pltpu.VMEM((chunk,), jnp.float32),
            pltpu.VMEM((n,), jnp.float32),
            pltpu.VMEM_SHARED((n,), jnp.float32),
            pltpu.VMEM_SHARED((n,), jnp.float32),
        ],
    )
    def deg_kernel(ei_hbm, degs_hbm, idx_v, ones_v, zeros_v, deg_sh0, deg_sh1):
        c = lax.axis_index("c")
        s = lax.axis_index("s")

        def fill_ones(i, _):
            ones_v[pl.ds(i * L, L)] = jnp.ones((L,), jnp.float32)
            return 0

        lax.fori_loop(0, chunk // L, fill_ones, 0)

        @pl.when(s == 0)
        def _():
            def fill_zeros(i, _):
                zeros_v[pl.ds(i * L, L)] = jnp.zeros((L,), jnp.float32)
                return 0

            lax.fori_loop(0, n // L, fill_zeros, 0)
            pltpu.sync_copy(zeros_v, deg_sh0)
            pltpu.sync_copy(zeros_v, deg_sh1)

        plsc.subcore_barrier()

        src_base = 2 * c * e + s * e_per
        dst_base = (2 * c + 1) * e + s * e_per

        def body(i, _):
            pltpu.sync_copy(
                ei_hbm.at[pl.ds(pl.multiple_of(src_base + i * chunk, 8), chunk)],
                idx_v,
            )
            pltpu.sync_copy(ones_v, deg_sh0.at[idx_v], add=True)
            pltpu.sync_copy(
                ei_hbm.at[pl.ds(pl.multiple_of(dst_base + i * chunk, 8), chunk)],
                idx_v,
            )
            pltpu.sync_copy(ones_v, deg_sh1.at[idx_v], add=True)
            return 0

        lax.fori_loop(0, nchunks, body, 0)
        plsc.subcore_barrier()

        @pl.when(s == 0)
        def _():
            pltpu.sync_copy(deg_sh0, zeros_v)
            pltpu.sync_copy(
                zeros_v, degs_hbm.at[pl.ds(pl.multiple_of(2 * c * n, 8), n)]
            )
            pltpu.sync_copy(deg_sh1, zeros_v)
            pltpu.sync_copy(
                zeros_v, degs_hbm.at[pl.ds(pl.multiple_of((2 * c + 1) * n, 8), n)]
            )

    return deg_kernel(eif)


def _sc_aggregate(xs, eif, e):
    n, d = xs.shape[1], xs.shape[2]
    e_per = e // NS
    chunk = 400
    assert e_per % (2 * chunk) == 0 and chunk % 8 == 0
    nchunks = e_per // chunk
    assert n % chunk == 0
    nwb = n // chunk
    wrounds = (nwb + NS - 1) // NS

    @functools.partial(
        pl.kernel,
        out_type=jax.ShapeDtypeStruct((2, n, d), jnp.float32),
        mesh=_MESH,
        scratch_types=[
            pltpu.VMEM((chunk,), jnp.int32),
            pltpu.VMEM((chunk,), jnp.int32),
            pltpu.VMEM((chunk,), jnp.int32),
            pltpu.VMEM((chunk,), jnp.int32),
            pltpu.VMEM((chunk, d), jnp.float32),
            pltpu.VMEM((chunk, d), jnp.float32),
            pltpu.VMEM_SHARED((n, d), jnp.float32),
            pltpu.SemaphoreType.DMA,
            pltpu.SemaphoreType.DMA,
            pltpu.SemaphoreType.DMA,
            pltpu.SemaphoreType.DMA,
            pltpu.SemaphoreType.DMA,
            pltpu.SemaphoreType.DMA,
        ],
        compiler_params=pltpu.CompilerParams(use_tc_tiling_on_sc=False),
    )
    def agg_kernel(
        xs_hbm, ei_hbm, agg_hbm,
        src0, dst0, src1, dst1, rows0, rows1, agg_sh,
        si0, si1, sg0, sg1, ss0, ss1,
    ):
        c = lax.axis_index("c")
        s = lax.axis_index("s")
        src_v = (src0, src1)
        dst_v = (dst0, dst1)
        rows_v = (rows0, rows1)
        si = (si0, si1)
        sg = (sg0, sg1)
        ss = (ss0, ss1)

        def fill_zero(i, _):
            rows0[i // (d // L), pl.ds((i % (d // L)) * L, L)] = jnp.zeros(
                (L,), jnp.float32
            )
            return 0

        lax.fori_loop(0, chunk * (d // L), fill_zero, 0)

        for z in range(wrounds):
            blk = s + z * NS

            @pl.when(blk < nwb)
            def _(blk=blk):
                pltpu.sync_copy(
                    rows0, agg_sh.at[pl.ds(pl.multiple_of(blk * chunk, 8), chunk)]
                )

        plsc.subcore_barrier()

        src_base = 2 * c * e + s * e_per
        dst_base = (2 * c + 1) * e + s * e_per

        def start_idx(b, i):
            pltpu.async_copy(
                ei_hbm.at[pl.ds(pl.multiple_of(src_base + i * chunk, 8), chunk)],
                src_v[b], si[b],
            )
            pltpu.async_copy(
                ei_hbm.at[pl.ds(pl.multiple_of(dst_base + i * chunk, 8), chunk)],
                dst_v[b], si[b],
            )

        def wait_idx(b):
            pltpu.make_async_copy(
                ei_hbm.at[pl.ds(0, chunk)], src_v[b], si[b]
            ).wait()
            pltpu.make_async_copy(
                ei_hbm.at[pl.ds(0, chunk)], dst_v[b], si[b]
            ).wait()

        def start_gather(b):
            pltpu.async_copy(xs_hbm.at[c].at[src_v[b]], rows_v[b], sg[b])

        def wait_gather(b):
            pltpu.make_async_copy(
                xs_hbm.at[c].at[src_v[b]], rows_v[b], sg[b]
            ).wait()

        def start_scatter(b):
            pltpu.async_copy(rows_v[b], agg_sh.at[dst_v[b]], ss[b], add=True)

        def wait_scatter(b):
            pltpu.make_async_copy(rows_v[b], agg_sh.at[dst_v[b]], ss[b]).wait()

        start_idx(0, 0)
        start_idx(1, 1)
        wait_idx(0)
        start_gather(0)

        def body(k, _):
            i0 = 2 * k
            wait_gather(0)
            wait_idx(1)
            start_gather(1)
            start_scatter(0)
            wait_scatter(0)

            @pl.when(i0 + 2 < nchunks)
            def _():
                start_idx(0, i0 + 2)

            wait_gather(1)

            @pl.when(i0 + 2 < nchunks)
            def _():
                wait_idx(0)
                start_gather(0)

            start_scatter(1)
            wait_scatter(1)

            @pl.when(i0 + 3 < nchunks)
            def _():
                start_idx(1, i0 + 3)

            return 0

        lax.fori_loop(0, nchunks // 2, body, 0)
        plsc.subcore_barrier()

        for z in range(wrounds):
            blk = s + z * NS

            @pl.when(blk < nwb)
            def _(blk=blk):
                off = pl.multiple_of(blk * chunk, 8)
                pltpu.sync_copy(agg_sh.at[pl.ds(off, chunk)], rows0)
                pltpu.sync_copy(rows0, agg_hbm.at[c, pl.ds(off, chunk)])

    return agg_kernel(xs, eif)


def _sel_column(f2, c):
    onehot = (lax.broadcasted_iota(jnp.int32, (2, 1), 0) == c).astype(jnp.float32)
    return jnp.dot(f2, onehot, preferred_element_type=jnp.float32)


def _tc_scale_matmul(h, out_t, wstack, bn):
    n, din = h.shape
    dout = wstack.shape[2]
    nb = n // bn

    def body(h_ref, deg_ref, w_ref, xs_ref):
        c = pl.program_id(0)
        f2 = lax.rsqrt(jnp.maximum(deg_ref[...], 1.0))
        f = _sel_column(f2, c)
        xm = jnp.dot(h_ref[...], w_ref[0], preferred_element_type=jnp.float32)
        xs_ref[0] = xm * f

    return pl.pallas_call(
        body,
        grid=(2, nb),
        in_specs=[
            pl.BlockSpec((bn, din), lambda c, i: (i, 0)),
            pl.BlockSpec((bn, 2), lambda c, i: (i, 0)),
            pl.BlockSpec((1, din, dout), lambda c, i: (c, 0, 0)),
        ],
        out_specs=pl.BlockSpec((1, bn, dout), lambda c, i: (c, i, 0)),
        out_shape=jax.ShapeDtypeStruct((2, n, dout), jnp.float32),
    )(h, out_t, wstack)


def _tc_emb_scores(agg, in_t, bstack, p1, pb1, p2, bn):
    _, n, d = agg.shape
    hid = p1.shape[1]
    nb = n // bn

    def body(agg_ref, deg_ref, b_ref, p1_ref, pb1_ref, p2_ref, emb_ref, sc_ref):
        c = pl.program_id(0)
        i = pl.program_id(1)
        f2 = lax.rsqrt(jnp.maximum(deg_ref[...], 1.0))
        f = _sel_column(f2, c)
        emb = agg_ref[0] * f + b_ref[0]
        emb_ref[0] = emb
        t = jnp.tanh(
            jnp.dot(emb, p1_ref[...], preferred_element_type=jnp.float32)
            + pb1_ref[...]
        )
        sc = jnp.dot(t, p2_ref[...], preferred_element_type=jnp.float32)
        part = jnp.sum(sc)

        @pl.when(i == 0)
        def _():
            sc_ref[...] = jnp.zeros_like(sc_ref)

        sc_ref[...] += part

    return pl.pallas_call(
        body,
        grid=(2, nb),
        in_specs=[
            pl.BlockSpec((1, bn, d), lambda c, i: (c, i, 0)),
            pl.BlockSpec((bn, 2), lambda c, i: (i, 0)),
            pl.BlockSpec((1, 1, d), lambda c, i: (c, 0, 0)),
            pl.BlockSpec((d, hid), lambda c, i: (0, 0)),
            pl.BlockSpec((1, hid), lambda c, i: (0, 0)),
            pl.BlockSpec((hid, 1), lambda c, i: (0, 0)),
        ],
        out_specs=[
            pl.BlockSpec((1, bn, d), lambda c, i: (c, i, 0)),
            pl.BlockSpec((8, 128), lambda c, i: (c, 0)),
        ],
        out_shape=[
            jax.ShapeDtypeStruct((2, n, d), jnp.float32),
            jax.ShapeDtypeStruct((16, 128), jnp.float32),
        ],
    )(agg, in_t, bstack, p1, pb1, p2)


def _tc_combine(emb, scores, bn):
    _, n, d = emb.shape
    nb = n // bn
    inv_n = 1.0 / n

    def body(emb_ref, sc_ref, out_ref):
        s0 = sc_ref[0:1, 0:1]
        s1 = sc_ref[8:9, 0:1]
        m = jnp.maximum(s0, s1)
        e0 = jnp.exp((s0 - m) * inv_n)
        e1 = jnp.exp((s1 - m) * inv_n)
        tot = e0 + e1
        out_ref[...] = emb_ref[0] * (e0 / tot) + emb_ref[1] * (e1 / tot)

    return pl.pallas_call(
        body,
        grid=(nb,),
        in_specs=[
            pl.BlockSpec((2, bn, d), lambda i: (0, i, 0)),
            pl.BlockSpec((16, 128), lambda i: (0, 0)),
        ],
        out_specs=pl.BlockSpec((bn, d), lambda i: (i, 0)),
        out_shape=jax.ShapeDtypeStruct((n, d), jnp.float32),
    )(emb, scores)


def kernel(h, edge_index_0, edge_index_1, W0, b0, W1, b1, P1, pb1, P2):
    n = h.shape[0]
    e = edge_index_0.shape[1]
    eif = jnp.concatenate(
        [edge_index_0.reshape(-1), edge_index_1.reshape(-1)]
    )
    wstack = jnp.stack([W0, W1])
    bstack = jnp.stack([b0, b1]).reshape(2, 1, -1)

    degs = _sc_degrees(eif, e, n).reshape(2, 2, n)
    out_t = jnp.transpose(degs[:, 0, :])
    in_t = jnp.transpose(degs[:, 1, :])
    xs = _tc_scale_matmul(h, out_t, wstack, bn=1000)
    agg = _sc_aggregate(xs, eif, e)
    emb, scores = _tc_emb_scores(
        agg, in_t, bstack, P1, pb1.reshape(1, -1), P2, bn=1000
    )
    return _tc_combine(emb, scores, bn=1000)

# --- scband reference (transcript-rebuilt; emitter-appended) ---
"""Pipeline reference for scband-hanlayer-1425929143036 (READ-ONLY COPY).

The authoritative reference and input builder live on the scoring server;
editing this copy changes nothing except your own understanding.
"""

import jax, jax.numpy as jnp
import numpy as np

N = 10000
E = 320000
IN = 128
OUT = 64  # out_size * layer_num_heads
HID = 128  # SemanticAttention hidden_size


def setup_inputs(seed: int = 0) -> dict:
    key = jax.random.key(seed)
    ks = jax.random.split(key, 12)
    h = jax.random.normal(ks[0], (N, IN), dtype=jnp.float32)
    edge_index_0 = jax.random.randint(ks[1], (2, E), 0, N, dtype=jnp.int32)
    edge_index_1 = jax.random.randint(ks[2], (2, E), 0, N, dtype=jnp.int32)
    # GraphConv weights for each metapath branch
    W0 = jax.random.normal(ks[3], (IN, OUT), dtype=jnp.float32) * 0.05
    b0 = jnp.zeros((OUT,), dtype=jnp.float32)
    W1 = jax.random.normal(ks[4], (IN, OUT), dtype=jnp.float32) * 0.05
    b1 = jnp.zeros((OUT,), dtype=jnp.float32)
    # SemanticAttention: Linear(OUT, HID) -> tanh -> Linear(HID, 1, bias=False)
    P1 = jax.random.normal(ks[5], (OUT, HID), dtype=jnp.float32) * 0.05
    pb1 = jnp.zeros((HID,), dtype=jnp.float32)
    P2 = jax.random.normal(ks[6], (HID, 1), dtype=jnp.float32) * 0.05
    return {"h": h, "edge_index_0": edge_index_0, "edge_index_1": edge_index_1,
            "W0": W0, "b0": b0, "W1": W1, "b1": b1,
            "P1": P1, "pb1": pb1, "P2": P2}


def _graph_conv(h, W, b, src, dst, n):
    # DGL GraphConv with norm='both': D_out^{-1/2} A^T D_in^{-1/2} X W + b
    out_deg = jnp.clip(jnp.bincount(src, length=n), 1).astype(h.dtype)
    in_deg = jnp.clip(jnp.bincount(dst, length=n), 1).astype(h.dtype)
    x = h * (out_deg ** -0.5)[:, None]
    x = x @ W
    agg = jax.ops.segment_sum(x[src], dst, num_segments=n)
    agg = agg * (in_deg ** -0.5)[:, None]
    return agg + b


def _semantic_attention(z, P1, pb1, P2):
    # z: [N, M, D]
    w = (jnp.tanh(z @ P1 + pb1) @ P2).mean(0)      # [M, 1]
    beta = jax.nn.softmax(w, axis=0)               # [M, 1]
    beta = jnp.broadcast_to(beta[None], (z.shape[0],) + beta.shape)  # [N, M, 1]
    return (beta * z).sum(1)                       # [N, D]


def reference(h, edge_index_0, edge_index_1, W0, b0, W1, b1, P1, pb1, P2):
    n = h.shape[0]
    emb0 = _graph_conv(h, W0, b0, edge_index_0[0], edge_index_0[1], n)
    emb1 = _graph_conv(h, W1, b1, edge_index_1[0], edge_index_1[1], n)
    z = jnp.stack([emb0, emb1], axis=1)  # [N, 2, OUT]
    return _semantic_attention(z, P1, pb1, P2)

if __name__ == "__main__":
    import jax
    _d = setup_inputs()
    print(jax.jit(kernel)(*tuple(_d.values())))

</pallas_src>

<mosaic_0001>
#map = affine_map<(d0, d1) -> (0)>
module attributes {stable_mosaic.version = 14 : i64} {
  func.func @deg_kernel(%arg0: i32, %arg1: i32, %arg2: memref<1280000xi32, #tpu.memory_space<hbm>>, %arg3: memref<40000xf32, #tpu.memory_space<hbm>>, %arg4: memref<800xi32, #tpu.memory_space<vmem>>, %arg5: memref<800xf32, #tpu.memory_space<vmem>>, %arg6: memref<10000xf32, #tpu.memory_space<vmem>>, %arg7: memref<10000xf32, #tpu.memory_space<vmem_shared>>, %arg8: memref<10000xf32, #tpu.memory_space<vmem_shared>>) attributes {dimension_semantics = [#tpu.dimension_semantics<core_parallel>, #tpu.dimension_semantics<subcore_parallel>], iteration_bounds = array<i64: 2, 16>, scalar_prefetch = 0 : i64, scratch_operands = 5 : i64, tpu.core_type = #tpu.core_type<sc_vector_subcore>, window_params = [{transform_indices = #map}, {transform_indices = #map}]} {
    %scan3A = arith.constant 0 : i32
    %scan3A_0 = arith.constant 0 : i32
    %scan3A_1 = arith.constant 50 : i32
    %scan3A_2 = arith.addi %scan3A_0, %scan3A_1 : i32
    %scan3A_3 = arith.constant 1 : i32
    %scan3A_4 = scf.for %scan3A_35 = %scan3A_0 to %scan3A_2 step %scan3A_3 iter_args(%scan3A_36 = %scan3A) -> (i32)  : i32 {
      %broadcast_in_dim3A = arith.constant 1.000000e+00 : f32
      %broadcast_in_dim3A_37 = vector.broadcast %broadcast_in_dim3A : f32 to vector<16xf32>
      %mul3A_38 = arith.constant 16 : i32
      %mul3A_39 = arith.muli %scan3A_35, %mul3A_38 : i32
      %swap3A = arith.index_cast %mul3A_39 : i32 to index
      %swap3A_40 = tpu.vector_load %arg5[%swap3A] {strides = array<i32>} : memref<800xf32, #tpu.memory_space<vmem>>, vector<16xf32>,
      %swap3A_41 = vector.shape_cast %swap3A_40 : vector<16xf32> to vector<16xf32>
      %swap3A_42 = vector.shape_cast %broadcast_in_dim3A_37 : vector<16xf32> to vector<16xf32>
      tpu.vector_store %arg5[%swap3A], %swap3A_42 {strides = array<i32>} : memref<800xf32, #tpu.memory_space<vmem>>, vector<16xf32>,
      %scan3A_43 = arith.constant 0 : i32
      scf.yield %scan3A_43 : i32
    }
    %scan3A_5 = arith.constant 50 : i32
    %eq3A = arith.constant 0 : i32
    %eq3A_6 = arith.cmpi eq, %arg1, %eq3A : i32
    %convert_element_type3A = arith.extui %eq3A_6 : i1 to i32
    %cond3A = arith.constant 0 : i32
    %cond3A_7 = arith.cmpi ne, %convert_element_type3A, %cond3A : i32
    scf.if %cond3A_7 {
      %scan3A_35 = arith.constant 0 : i32
      %scan3A_36 = arith.constant 0 : i32
      %scan3A_37 = arith.constant 625 : i32
      %scan3A_38 = arith.addi %scan3A_36, %scan3A_37 : i32
      %scan3A_39 = arith.constant 1 : i32
      %scan3A_40 = scf.for %scan3A_42 = %scan3A_36 to %scan3A_38 step %scan3A_39 iter_args(%scan3A_43 = %scan3A_35) -> (i32)  : i32 {
        %broadcast_in_dim3A = arith.constant 0.000000e+00 : f32
        %broadcast_in_dim3A_44 = vector.broadcast %broadcast_in_dim3A : f32 to vector<16xf32>
        %mul3A_45 = arith.constant 16 : i32
        %mul3A_46 = arith.muli %scan3A_42, %mul3A_45 : i32
        %swap3A = arith.index_cast %mul3A_46 : i32 to index
        %swap3A_47 = tpu.vector_load %arg6[%swap3A] {strides = array<i32>} : memref<10000xf32, #tpu.memory_space<vmem>>, vector<16xf32>,
        %swap3A_48 = vector.shape_cast %swap3A_47 : vector<16xf32> to vector<16xf32>
        %swap3A_49 = vector.shape_cast %broadcast_in_dim3A_44 : vector<16xf32> to vector<16xf32>
        tpu.vector_store %arg6[%swap3A], %swap3A_49 {strides = array<i32>} : memref<10000xf32, #tpu.memory_space<vmem>>, vector<16xf32>,
        %scan3A_50 = arith.constant 0 : i32
        scf.yield %scan3A_50 : i32
      }
      %scan3A_41 = arith.constant 625 : i32
      "tpu.region"() ({
        %run_scoped3A = tpu.sem_alloc : memref<!tpu.dma_semaphore, #tpu.memory_space<semaphore_mem>>
        tpu.enqueue_dma source(%arg6 : memref<10000xf32, #tpu.memory_space<vmem>>) target(%arg7 : memref<10000xf32, #tpu.memory_space<vmem_shared>>) target_semaphore(%run_scoped3A : memref<!tpu.dma_semaphore, #tpu.memory_space<semaphore_mem>>)
        tpu.wait_dma2 semaphore(%run_scoped3A : memref<!tpu.dma_semaphore, #tpu.memory_space<semaphore_mem>>) src(%arg6 : memref<10000xf32, #tpu.memory_space<vmem>>) dst(%arg7 : memref<10000xf32, #tpu.memory_space<vmem_shared>>)
        tpu.yield
      }) : () -> ()
      "tpu.region"() ({
        %run_scoped3A = tpu.sem_alloc : memref<!tpu.dma_semaphore, #tpu.memory_space<semaphore_mem>>
        tpu.enqueue_dma source(%arg6 : memref<10000xf32, #tpu.memory_space<vmem>>) target(%arg8 : memref<10000xf32, #tpu.memory_space<vmem_shared>>) target_semaphore(%run_scoped3A : memref<!tpu.dma_semaphore, #tpu.memory_space<semaphore_mem>>)
        tpu.wait_dma2 semaphore(%run_scoped3A : memref<!tpu.dma_semaphore, #tpu.memory_space<semaphore_mem>>) src(%arg6 : memref<10000xf32, #tpu.memory_space<vmem>>) dst(%arg8 : memref<10000xf32, #tpu.memory_space<vmem_shared>>)
        tpu.yield
      }) : () -> ()
    } else {
    }
    %barrier3A = arith.constant 0 : index
    tpu.barrier barrier_id(%barrier3A)
    %mul3A = arith.constant 2 : i32
    %mul3A_8 = arith.muli %mul3A, %arg0 : i32
    %mul3A_9 = arith.constant 320000 : i32
    %mul3A_10 = arith.muli %mul3A_8, %mul3A_9 : i32
    %mul3A_11 = arith.constant 20000 : i32
    %mul3A_12 = arith.muli %arg1, %mul3A_11 : i32
    %add3A = arith.addi %mul3A_10, %mul3A_12 : i32
    %mul3A_13 = arith.constant 2 : i32
    %mul3A_14 = arith.muli %mul3A_13, %arg0 : i32
    %add3A_15 = arith.constant 1 : i32
    %add3A_16 = arith.addi %mul3A_14, %add3A_15 : i32
    %mul3A_17 = arith.constant 320000 : i32
    %mul3A_18 = arith.muli %add3A_16, %mul3A_17 : i32
    %mul3A_19 = arith.constant 20000 : i32
    %mul3A_20 = arith.muli %arg1, %mul3A_19 : i32
    %add3A_21 = arith.addi %mul3A_18, %mul3A_20 : i32
    %scan3A_22 = arith.constant 0 : i32
    %scan3A_23 = arith.constant 0 : i32
    %scan3A_24 = arith.constant 25 : i32
    %scan3A_25 = arith.addi %scan3A_23, %scan3A_24 : i32
    %scan3A_26 = arith.constant 1 : i32
    %scan3A_27 = scf.for %scan3A_35 = %scan3A_23 to %scan3A_25 step %scan3A_26 iter_args(%scan3A_36 = %scan3A_22) -> (i32)  : i32 {
      %mul3A_37 = arith.constant 800 : i32
      %mul3A_38 = arith.muli %scan3A_35, %mul3A_37 : i32
      %add3A_39 = arith.addi %add3A, %mul3A_38 : i32
      %multiple_of3A = tpu.assume_multiple %add3A_39, 8 : i32
      "tpu.region"() ({
        %run_scoped3A = tpu.sem_alloc : memref<!tpu.dma_semaphore, #tpu.memory_space<semaphore_mem>>
        %dma_start3A = tpu.memref_slice %arg2[%multiple_of3A] : memref<1280000xi32, #tpu.memory_space<hbm>> -> memref<800xi32, #tpu.memory_space<hbm>>
        %dma_start3A_45 = tpu.memref_slice %arg2[%multiple_of3A] : memref<1280000xi32, #tpu.memory_space<hbm>> -> memref<800xi32, #tpu.memory_space<hbm>>
        tpu.enqueue_dma source(%dma_start3A_45 : memref<800xi32, #tpu.memory_space<hbm>>) target(%arg4 : memref<800xi32, #tpu.memory_space<vmem>>) target_semaphore(%run_scoped3A : memref<!tpu.dma_semaphore, #tpu.memory_space<semaphore_mem>>)
        %dma_wait3A = tpu.memref_slice %arg2[%multiple_of3A] : memref<1280000xi32, #tpu.memory_space<hbm>> -> memref<800xi32, #tpu.memory_space<hbm>>
        %dma_wait3A_46 = tpu.memref_slice %arg2[%multiple_of3A] : memref<1280000xi32, #tpu.memory_space<hbm>> -> memref<800xi32, #tpu.memory_space<hbm>>
        tpu.wait_dma2 semaphore(%run_scoped3A : memref<!tpu.dma_semaphore, #tpu.memory_space<semaphore_mem>>) src(%dma_wait3A_46 : memref<800xi32, #tpu.memory_space<hbm>>) dst(%arg4 : memref<800xi32, #tpu.memory_space<vmem>>)
        tpu.yield
      }) : () -> ()
      "tpu.region"() ({
        %run_scoped3A = tpu.sem_alloc : memref<!tpu.dma_semaphore, #tpu.memory_space<semaphore_mem>>
        %dma_start3A = arith.constant 0 : i32
        %dma_start3A_45 = tpu.memref_slice %arg7[%dma_start3A] : memref<10000xf32, #tpu.memory_space<vmem_shared>> -> memref<10000xf32, #tpu.memory_space<vmem_shared>>
        tpu.enqueue_indirect_dma source(%arg5 : memref<800xf32, #tpu.memory_space<vmem>>) target(%dma_start3A_45 : memref<10000xf32, #tpu.memory_space<vmem_shared>>) offsets(%arg4 : memref<800xi32, #tpu.memory_space<vmem>>) semaphore(%run_scoped3A : memref<!tpu.dma_semaphore, #tpu.memory_space<semaphore_mem>>) {add = true}
        %dma_wait3A = arith.constant 0 : i32
        %dma_wait3A_46 = tpu.memref_slice %arg7[%dma_wait3A] : memref<10000xf32, #tpu.memory_space<vmem_shared>> -> memref<10000xf32, #tpu.memory_space<vmem_shared>>
        tpu.wait_indirect_dma semaphore(%run_scoped3A : memref<!tpu.dma_semaphore, #tpu.memory_space<semaphore_mem>>) src(%arg5 : memref<800xf32, #tpu.memory_space<vmem>>) dst(%dma_wait3A_46 : memref<10000xf32, #tpu.memory_space<vmem_shared>>)
        tpu.yield
      }) : () -> ()
      %mul3A_40 = arith.constant 800 : i32
      %mul3A_41 = arith.muli %scan3A_35, %mul3A_40 : i32
      %add3A_42 = arith.addi %add3A_21, %mul3A_41 : i32
      %multiple_of3A_43 = tpu.assume_multiple %add3A_42, 8 : i32
      "tpu.region"() ({
        %run_scoped3A = tpu.sem_alloc : memref<!tpu.dma_semaphore, #tpu.memory_space<semaphore_mem>>
        %dma_start3A = tpu.memref_slice %arg2[%multiple_of3A_43] : memref<1280000xi32, #tpu.memory_space<hbm>> -> memref<800xi32, #tpu.memory_space<hbm>>
        %dma_start3A_45 = tpu.memref_slice %arg2[%multiple_of3A_43] : memref<1280000xi32, #tpu.memory_space<hbm>> -> memref<800xi32, #tpu.memory_space<hbm>>
        tpu.enqueue_dma source(%dma_start3A_45 : memref<800xi32, #tpu.memory_space<hbm>>) target(%arg4 : memref<800xi32, #tpu.memory_space<vmem>>) target_semaphore(%run_scoped3A : memref<!tpu.dma_semaphore, #tpu.memory_space<semaphore_mem>>)
        %dma_wait3A = tpu.memref_slice %arg2[%multiple_of3A_43] : memref<1280000xi32, #tpu.memory_space<hbm>> -> memref<800xi32, #tpu.memory_space<hbm>>
        %dma_wait3A_46 = tpu.memref_slice %arg2[%multiple_of3A_43] : memref<1280000xi32, #tpu.memory_space<hbm>> -> memref<800xi32, #tpu.memory_space<hbm>>
        tpu.wait_dma2 semaphore(%run_scoped3A : memref<!tpu.dma_semaphore, #tpu.memory_space<semaphore_mem>>) src(%dma_wait3A_46 : memref<800xi32, #tpu.memory_space<hbm>>) dst(%arg4 : memref<800xi32, #tpu.memory_space<vmem>>)
        tpu.yield
      }) : () -> ()
      "tpu.region"() ({
        %run_scoped3A = tpu.sem_alloc : memref<!tpu.dma_semaphore, #tpu.memory_space<semaphore_mem>>
        %dma_start3A = arith.constant 0 : i32
        %dma_start3A_45 = tpu.memref_slice %arg8[%dma_start3A] : memref<10000xf32, #tpu.memory_space<vmem_shared>> -> memref<10000xf32, #tpu.memory_space<vmem_shared>>
        tpu.enqueue_indirect_dma source(%arg5 : memref<800xf32, #tpu.memory_space<vmem>>) target(%dma_start3A_45 : memref<10000xf32, #tpu.memory_space<vmem_shared>>) offsets(%arg4 : memref<800xi32, #tpu.memory_space<vmem>>) semaphore(%run_scoped3A : memref<!tpu.dma_semaphore, #tpu.memory_space<semaphore_mem>>) {add = true}
        %dma_wait3A = arith.constant 0 : i32
        %dma_wait3A_46 = tpu.memref_slice %arg8[%dma_wait3A] : memref<10000xf32, #tpu.memory_space<vmem_shared>> -> memref<10000xf32, #tpu.memory_space<vmem_shared>>
        tpu.wait_indirect_dma semaphore(%run_scoped3A : memref<!tpu.dma_semaphore, #tpu.memory_space<semaphore_mem>>) src(%arg5 : memref<800xf32, #tpu.memory_space<vmem>>) dst(%dma_wait3A_46 : memref<10000xf32, #tpu.memory_space<vmem_shared>>)
        tpu.yield
      }) : () -> ()
      %scan3A_44 = arith.constant 0 : i32
      scf.yield %scan3A_44 : i32
    }
    %scan3A_28 = arith.constant 25 : i32
    %barrier3A_29 = arith.constant 0 : index
    tpu.barrier barrier_id(%barrier3A_29)
    %eq3A_30 = arith.constant 0 : i32
    %eq3A_31 = arith.cmpi eq, %arg1, %eq3A_30 : i32
    %convert_element_type3A_32 = arith.extui %eq3A_31 : i1 to i32
    %cond3A_33 = arith.constant 0 : i32
    %cond3A_34 = arith.cmpi ne, %convert_element_type3A_32, %cond3A_33 : i32
    scf.if %cond3A_34 {
      "tpu.region"() ({
        %run_scoped3A = tpu.sem_alloc : memref<!tpu.dma_semaphore, #tpu.memory_space<semaphore_mem>>
        tpu.enqueue_dma source(%arg7 : memref<10000xf32, #tpu.memory_space<vmem_shared>>) target(%arg6 : memref<10000xf32, #tpu.memory_space<vmem>>) target_semaphore(%run_scoped3A : memref<!tpu.dma_semaphore, #tpu.memory_space<semaphore_mem>>)
        tpu.wait_dma2 semaphore(%run_scoped3A : memref<!tpu.dma_semaphore, #tpu.memory_space<semaphore_mem>>) src(%arg7 : memref<10000xf32, #tpu.memory_space<vmem_shared>>) dst(%arg6 : memref<10000xf32, #tpu.memory_space<vmem>>)
        tpu.yield
      }) : () -> ()
      %mul3A_35 = arith.constant 2 : i32
      %mul3A_36 = arith.muli %mul3A_35, %arg0 : i32
      %mul3A_37 = arith.constant 10000 : i32
      %mul3A_38 = arith.muli %mul3A_36, %mul3A_37 : i32
      %multiple_of3A = tpu.assume_multiple %mul3A_38, 8 : i32
      "tpu.region"() ({
        %run_scoped3A = tpu.sem_alloc : memref<!tpu.dma_semaphore, #tpu.memory_space<semaphore_mem>>
        %dma_start3A = tpu.memref_slice %arg3[%multiple_of3A] : memref<40000xf32, #tpu.memory_space<hbm>> -> memref<10000xf32, #tpu.memory_space<hbm>>
        %dma_start3A_46 = tpu.memref_slice %arg3[%multiple_of3A] : memref<40000xf32, #tpu.memory_space<hbm>> -> memref<10000xf32, #tpu.memory_space<hbm>>
        tpu.enqueue_dma source(%arg6 : memref<10000xf32, #tpu.memory_space<vmem>>) target(%dma_start3A_46 : memref<10000xf32, #tpu.memory_space<hbm>>) target_semaphore(%run_scoped3A : memref<!tpu.dma_semaphore, #tpu.memory_space<semaphore_mem>>)
        %dma_wait3A = tpu.memref_slice %arg3[%multiple_of3A] : memref<40000xf32, #tpu.memory_space<hbm>> -> memref<10000xf32, #tpu.memory_space<hbm>>
        %dma_wait3A_47 = tpu.memref_slice %arg3[%multiple_of3A] : memref<40000xf32, #tpu.memory_space<hbm>> -> memref<10000xf32, #tpu.memory_space<hbm>>
        tpu.wait_dma2 semaphore(%run_scoped3A : memref<!tpu.dma_semaphore, #tpu.memory_space<semaphore_mem>>) src(%arg6 : memref<10000xf32, #tpu.memory_space<vmem>>) dst(%dma_wait3A_47 : memref<10000xf32, #tpu.memory_space<hbm>>)
        tpu.yield
      }) : () -> ()
      "tpu.region"() ({
        %run_scoped3A = tpu.sem_alloc : memref<!tpu.dma_semaphore, #tpu.memory_space<semaphore_mem>>
        tpu.enqueue_dma source(%arg8 : memref<10000xf32, #tpu.memory_space<vmem_shared>>) target(%arg6 : memref<10000xf32, #tpu.memory_space<vmem>>) target_semaphore(%run_scoped3A : memref<!tpu.dma_semaphore, #tpu.memory_space<semaphore_mem>>)
        tpu.wait_dma2 semaphore(%run_scoped3A : memref<!tpu.dma_semaphore, #tpu.memory_space<semaphore_mem>>) src(%arg8 : memref<10000xf32, #tpu.memory_space<vmem_shared>>) dst(%arg6 : memref<10000xf32, #tpu.memory_space<vmem>>)
        tpu.yield
      }) : () -> ()
      %mul3A_39 = arith.constant 2 : i32
      %mul3A_40 = arith.muli %mul3A_39, %arg0 : i32
      %add3A_41 = arith.constant 1 : i32
      %add3A_42 = arith.addi %mul3A_40, %add3A_41 : i32
      %mul3A_43 = arith.constant 10000 : i32
      %mul3A_44 = arith.muli %add3A_42, %mul3A_43 : i32
      %multiple_of3A_45 = tpu.assume_multiple %mul3A_44, 8 : i32
      "tpu.region"() ({
        %run_scoped3A = tpu.sem_alloc : memref<!tpu.dma_semaphore, #tpu.memory_space<semaphore_mem>>
        %dma_start3A = tpu.memref_slice %arg3[%multiple_of3A_45] : memref<40000xf32, #tpu.memory_space<hbm>> -> memref<10000xf32, #tpu.memory_space<hbm>>
        %dma_start3A_46 = tpu.memref_slice %arg3[%multiple_of3A_45] : memref<40000xf32, #tpu.memory_space<hbm>> -> memref<10000xf32, #tpu.memory_space<hbm>>
        tpu.enqueue_dma source(%arg6 : memref<10000xf32, #tpu.memory_space<vmem>>) target(%dma_start3A_46 : memref<10000xf32, #tpu.memory_space<hbm>>) target_semaphore(%run_scoped3A : memref<!tpu.dma_semaphore, #tpu.memory_space<semaphore_mem>>)
        %dma_wait3A = tpu.memref_slice %arg3[%multiple_of3A_45] : memref<40000xf32, #tpu.memory_space<hbm>> -> memref<10000xf32, #tpu.memory_space<hbm>>
        %dma_wait3A_47 = tpu.memref_slice %arg3[%multiple_of3A_45] : memref<40000xf32, #tpu.memory_space<hbm>> -> memref<10000xf32, #tpu.memory_space<hbm>>
        tpu.wait_dma2 semaphore(%run_scoped3A : memref<!tpu.dma_semaphore, #tpu.memory_space<semaphore_mem>>) src(%arg6 : memref<10000xf32, #tpu.memory_space<vmem>>) dst(%dma_wait3A_47 : memref<10000xf32, #tpu.memory_space<hbm>>)
        tpu.yield
      }) : () -> ()
    } else {
    }
    return
  }
}

#map = affine_map<(d0, d1) -> (0, 0, 0)>
#map1 = affine_map<(d0, d1) -> (0)>
module attributes {stable_mosaic.version = 14 : i64} {
  func.func @agg_kernel(%arg0: i32, %arg1: i32, %arg2: memref<2x10000x64xf32, #tpu.memory_space<hbm>>, %arg3: memref<1280000xi32, #tpu.memory_space<hbm>>, %arg4: memref<2x10000x64xf32, #tpu.memory_space<hbm>>, %arg5: memref<400xi32, #tpu.memory_space<vmem>>, %arg6: memref<400xi32, #tpu.memory_space<vmem>>, %arg7: memref<400xi32, #tpu.memory_space<vmem>>, %arg8: memref<400xi32, #tpu.memory_space<vmem>>, %arg9: memref<400x64xf32, #tpu.memory_space<vmem>>, %arg10: memref<400x64xf32, #tpu.memory_space<vmem>>, %arg11: memref<10000x64xf32, #tpu.memory_space<vmem_shared>>, %arg12: memref<!tpu.dma_semaphore, #tpu.memory_space<semaphore_mem>>, %arg13: memref<!tpu.dma_semaphore, #tpu.memory_space<semaphore_mem>>, %arg14: memref<!tpu.dma_semaphore, #tpu.memory_space<semaphore_mem>>, %arg15: memref<!tpu.dma_semaphore, #tpu.memory_space<semaphore_mem>>, %arg16: memref<!tpu.dma_semaphore, #tpu.memory_space<semaphore_mem>>, %arg17: memref<!tpu.dma_semaphore, #tpu.memory_space<semaphore_mem>>) attributes {dimension_semantics = [#tpu.dimension_semantics<core_parallel>, #tpu.dimension_semantics<subcore_parallel>], iteration_bounds = array<i64: 2, 16>, scalar_prefetch = 0 : i64, scratch_operands = 13 : i64, tpu.core_type = #tpu.core_type<sc_vector_subcore>, window_params = [{transform_indices = #map}, {transform_indices = #map1}, {transform_indices = #map}]} {
    %scan3A = arith.constant 0 : i32
    %scan3A_0 = arith.constant 0 : i32
    %scan3A_1 = arith.constant 1600 : i32
    %scan3A_2 = arith.addi %scan3A_0, %scan3A_1 : i32
    %scan3A_3 = arith.constant 1 : i32
    %scan3A_4 = scf.for %scan3A_85 = %scan3A_0 to %scan3A_2 step %scan3A_3 iter_args(%scan3A_86 = %scan3A) -> (i32)  : i32 {
      %broadcast_in_dim3A = arith.constant 0.000000e+00 : f32
      %broadcast_in_dim3A_87 = vector.broadcast %broadcast_in_dim3A : f32 to vector<16xf32>
      %jit3A = arith.constant 4 : i32
      %div3A = arith.divsi %scan3A_85, %jit3A : i32
      %sign3A = arith.constant 0 : i32
      %sign3A_88 = arith.cmpi sgt, %scan3A_85, %sign3A : i32
      %sign3A_89 = arith.extui %sign3A_88 : i1 to i32
      %sign3A_90 = arith.constant 0 : i32
      %sign3A_91 = arith.cmpi slt, %scan3A_85, %sign3A_90 : i32
      %sign3A_92 = arith.extui %sign3A_91 : i1 to i32
      %sign3A_93 = arith.subi %sign3A_89, %sign3A_92 : i32
      %sign3A_94 = arith.constant 0 : i32
      %sign3A_95 = arith.cmpi sgt, %jit3A, %sign3A_94 : i32
      %sign3A_96 = arith.extui %sign3A_95 : i1 to i32
      %sign3A_97 = arith.constant 0 : i32
      %sign3A_98 = arith.cmpi slt, %jit3A, %sign3A_97 : i32
      %sign3A_99 = arith.extui %sign3A_98 : i1 to i32
      %sign3A_100 = arith.subi %sign3A_96, %sign3A_99 : i32
      %ne3A = arith.cmpi ne, %sign3A_93, %sign3A_100 : i32
      %rem3A = arith.remsi %scan3A_85, %jit3A : i32
      %ne3A_101 = arith.constant 0 : i32
      %ne3A_102 = arith.cmpi ne, %rem3A, %ne3A_101 : i32
      %and3A = arith.andi %ne3A, %ne3A_102 : i1
      %sub3A = arith.constant 1 : i32
      %sub3A_103 = arith.subi %div3A, %sub3A : i32
      %select_n3A = arith.select %and3A, %sub3A_103, %div3A : i32
      %jit3A_104 = arith.constant 4 : i32
      %eq3A = arith.constant 0 : i32
      %eq3A_105 = arith.cmpi eq, %jit3A_104, %eq3A : i32
      %jit3A_106 = arith.constant 1 : i32
      %select_n3A_107 = arith.select %eq3A_105, %jit3A_106, %jit3A_104 : i32
      %rem3A_108 = arith.remsi %scan3A_85, %select_n3A_107 : i32
      %ne3A_109 = arith.constant 0 : i32
      %ne3A_110 = arith.cmpi ne, %rem3A_108, %ne3A_109 : i32
      %lt3A_111 = arith.constant 0 : i32
      %lt3A_112 = arith.cmpi slt, %rem3A_108, %lt3A_111 : i32
      %lt3A_113 = arith.constant 0 : i32
      %lt3A_114 = arith.cmpi slt, %select_n3A_107, %lt3A_113 : i32
      %ne3A_115 = arith.xori %lt3A_112, %lt3A_114 : i1
      %and3A_116 = arith.andi %ne3A_115, %ne3A_110 : i1
      %add3A_117 = arith.addi %rem3A_108, %select_n3A_107 : i32
      %select_n3A_118 = arith.select %and3A_116, %add3A_117, %rem3A_108 : i32
      %mul3A_119 = arith.constant 16 : i32
      %mul3A_120 = arith.muli %select_n3A_118, %mul3A_119 : i32
      %swap3A = arith.index_cast %select_n3A : i32 to index
      %swap3A_121 = arith.index_cast %mul3A_120 : i32 to index
      %swap3A_122 = tpu.vector_load %arg9[%swap3A, %swap3A_121] {strides = array<i32>} : memref<400x64xf32, #tpu.memory_space<vmem>>, vector<1x16xf32>,
      %swap3A_123 = vector.shape_cast %swap3A_122 : vector<1x16xf32> to vector<16xf32>
      %swap3A_124 = vector.shape_cast %broadcast_in_dim3A_87 : vector<16xf32> to vector<1x16xf32>
      tpu.vector_store %arg9[%swap3A, %swap3A_121], %swap3A_124 {strides = array<i32>} : memref<400x64xf32, #tpu.memory_space<vmem>>, vector<1x16xf32>,
      %scan3A_125 = arith.constant 0 : i32
      scf.yield %scan3A_125 : i32
    }
    %scan3A_5 = arith.constant 1600 : i32
    %add3A = arith.constant 0 : i32
    %add3A_6 = arith.addi %arg1, %add3A : i32
    %lt3A = arith.constant 25 : i32
    %lt3A_7 = arith.cmpi slt, %add3A_6, %lt3A : i32
    %convert_element_type3A = arith.extui %lt3A_7 : i1 to i32
    %cond3A = arith.constant 0 : i32
    %cond3A_8 = arith.cmpi ne, %convert_element_type3A, %cond3A : i32
    scf.if %cond3A_8 {
      %mul3A_85 = arith.constant 400 : i32
      %mul3A_86 = arith.muli %add3A_6, %mul3A_85 : i32
      %multiple_of3A_87 = tpu.assume_multiple %mul3A_86, 8 : i32
      "tpu.region"() ({
        %run_scoped3A = tpu.sem_alloc : memref<!tpu.dma_semaphore, #tpu.memory_space<semaphore_mem>>
        %dma_start3A_88 = arith.constant 0 : i32
        %dma_start3A_89 = tpu.memref_slice %arg11[%multiple_of3A_87, %dma_start3A_88] : memref<10000x64xf32, #tpu.memory_space<vmem_shared>> -> memref<400x64xf32, #tpu.memory_space<vmem_shared>>
        %dma_start3A_90 = arith.constant 0 : i32
        %dma_start3A_91 = tpu.memref_slice %arg11[%multiple_of3A_87, %dma_start3A_90] : memref<10000x64xf32, #tpu.memory_space<vmem_shared>> -> memref<400x64xf32, #tpu.memory_space<vmem_shared>>
        tpu.enqueue_dma source(%arg9 : memref<400x64xf32, #tpu.memory_space<vmem>>) target(%dma_start3A_91 : memref<400x64xf32, #tpu.memory_space<vmem_shared>>) target_semaphore(%run_scoped3A : memref<!tpu.dma_semaphore, #tpu.memory_space<semaphore_mem>>)
        %dma_wait3A_92 = arith.constant 0 : i32
        %dma_wait3A_93 = tpu.memref_slice %arg11[%multiple_of3A_87, %dma_wait3A_92] : memref<10000x64xf32, #tpu.memory_space<vmem_shared>> -> memref<400x64xf32, #tpu.memory_space<vmem_shared>>
        %dma_wait3A_94 = arith.constant 0 : i32
        %dma_wait3A_95 = tpu.memref_slice %arg11[%multiple_of3A_87, %dma_wait3A_94] : memref<10000x64xf32, #tpu.memory_space<vmem_shared>> -> memref<400x64xf32, #tpu.memory_space<vmem_shared>>
        tpu.wait_dma2 semaphore(%run_scoped3A : memref<!tpu.dma_semaphore, #tpu.memory_space<semaphore_mem>>) src(%arg9 : memref<400x64xf32, #tpu.memory_space<vmem>>) dst(%dma_wait3A_95 : memref<400x64xf32, #tpu.memory_space<vmem_shared>>)
        tpu.yield
      }) : () -> ()
    } else {
    }
    %add3A_9 = arith.constant 16 : i32
    %add3A_10 = arith.addi %arg1, %add3A_9 : i32
    %lt3A_11 = arith.constant 25 : i32
    %lt3A_12 = arith.cmpi slt, %add3A_10, %lt3A_11 : i32
    %convert_element_type3A_13 = arith.extui %lt3A_12 : i1 to i32
    %cond3A_14 = arith.constant 0 : i32
    %cond3A_15 = arith.cmpi ne, %convert_element_type3A_13, %cond3A_14 : i32
    scf.if %cond3A_15 {
      %mul3A_85 = arith.constant 400 : i32
      %mul3A_86 = arith.muli %add3A_10, %mul3A_85 : i32
      %multiple_of3A_87 = tpu.assume_multiple %mul3A_86, 8 : i32
      "tpu.region"() ({
        %run_scoped3A = tpu.sem_alloc : memref<!tpu.dma_semaphore, #tpu.memory_space<semaphore_mem>>
        %dma_start3A_88 = arith.constant 0 : i32
        %dma_start3A_89 = tpu.memref_slice %arg11[%multiple_of3A_87, %dma_start3A_88] : memref<10000x64xf32, #tpu.memory_space<vmem_shared>> -> memref<400x64xf32, #tpu.memory_space<vmem_shared>>
        %dma_start3A_90 = arith.constant 0 : i32
        %dma_start3A_91 = tpu.memref_slice %arg11[%multiple_of3A_87, %dma_start3A_90] : memref<10000x64xf32, #tpu.memory_space<vmem_shared>> -> memref<400x64xf32, #tpu.memory_space<vmem_shared>>
        tpu.enqueue_dma source(%arg9 : memref<400x64xf32, #tpu.memory_space<vmem>>) target(%dma_start3A_91 : memref<400x64xf32, #tpu.memory_space<vmem_shared>>) target_semaphore(%run_scoped3A : memref<!tpu.dma_semaphore, #tpu.memory_space<semaphore_mem>>)
        %dma_wait3A_92 = arith.constant 0 : i32
        %dma_wait3A_93 = tpu.memref_slice %arg11[%multiple_of3A_87, %dma_wait3A_92] : memref<10000x64xf32, #tpu.memory_space<vmem_shared>> -> memref<400x64xf32, #tpu.memory_space<vmem_shared>>
        %dma_wait3A_94 = arith.constant 0 : i32
        %dma_wait3A_95 = tpu.memref_slice %arg11[%multiple_of3A_87, %dma_wait3A_94] : memref<10000x64xf32, #tpu.memory_space<vmem_shared>> -> memref<400x64xf32, #tpu.memory_space<vmem_shared>>
        tpu.wait_dma2 semaphore(%run_scoped3A : memref<!tpu.dma_semaphore, #tpu.memory_space<semaphore_mem>>) src(%arg9 : memref<400x64xf32, #tpu.memory_space<vmem>>) dst(%dma_wait3A_95 : memref<400x64xf32, #tpu.memory_space<vmem_shared>>)
        tpu.yield
      }) : () -> ()
    } else {
    }
    %barrier3A = arith.constant 0 : index
    tpu.barrier barrier_id(%barrier3A)
    %mul3A = arith.constant 2 : i32
    %mul3A_16 = arith.muli %mul3A, %arg0 : i32
    %mul3A_17 = arith.constant 320000 : i32
    %mul3A_18 = arith.muli %mul3A_16, %mul3A_17 : i32
    %mul3A_19 = arith.constant 20000 : i32
    %mul3A_20 = arith.muli %arg1, %mul3A_19 : i32
    %add3A_21 = arith.addi %mul3A_18, %mul3A_20 : i32
    %mul3A_22 = arith.constant 2 : i32
    %mul3A_23 = arith.muli %mul3A_22, %arg0 : i32
    %add3A_24 = arith.constant 1 : i32
    %add3A_25 = arith.addi %mul3A_23, %add3A_24 : i32
    %mul3A_26 = arith.constant 320000 : i32
    %mul3A_27 = arith.muli %add3A_25, %mul3A_26 : i32
    %mul3A_28 = arith.constant 20000 : i32
    %mul3A_29 = arith.muli %arg1, %mul3A_28 : i32
    %add3A_30 = arith.addi %mul3A_27, %mul3A_29 : i32
    %add3A_31 = arith.constant 0 : i32
    %add3A_32 = arith.addi %add3A_21, %add3A_31 : i32
    %multiple_of3A = tpu.assume_multiple %add3A_32, 8 : i32
    %dma_start3A = tpu.memref_slice %arg3[%multiple_of3A] : memref<1280000xi32, #tpu.memory_space<hbm>> -> memref<400xi32, #tpu.memory_space<hbm>>
    %dma_start3A_33 = tpu.memref_slice %arg3[%multiple_of3A] : memref<1280000xi32, #tpu.memory_space<hbm>> -> memref<400xi32, #tpu.memory_space<hbm>>
    tpu.enqueue_dma source(%dma_start3A_33 : memref<400xi32, #tpu.memory_space<hbm>>) target(%arg5 : memref<400xi32, #tpu.memory_space<vmem>>) target_semaphore(%arg12 : memref<!tpu.dma_semaphore, #tpu.memory_space<semaphore_mem>>)
    %add3A_34 = arith.constant 0 : i32
    %add3A_35 = arith.addi %add3A_30, %add3A_34 : i32
    %multiple_of3A_36 = tpu.assume_multiple %add3A_35, 8 : i32
    %dma_start3A_37 = tpu.memref_slice %arg3[%multiple_of3A_36] : memref<1280000xi32, #tpu.memory_space<hbm>> -> memref<400xi32, #tpu.memory_space<hbm>>
    %dma_start3A_38 = tpu.memref_slice %arg3[%multiple_of3A_36] : memref<1280000xi32, #tpu.memory_space<hbm>> -> memref<400xi32, #tpu.memory_space<hbm>>
    tpu.enqueue_dma source(%dma_start3A_38 : memref<400xi32, #tpu.memory_space<hbm>>) target(%arg6 : memref<400xi32, #tpu.memory_space<vmem>>) target_semaphore(%arg12 : memref<!tpu.dma_semaphore, #tpu.memory_space<semaphore_mem>>)
    %add3A_39 = arith.constant 400 : i32
    %add3A_40 = arith.addi %add3A_21, %add3A_39 : i32
    %multiple_of3A_41 = tpu.assume_multiple %add3A_40, 8 : i32
    %dma_start3A_42 = tpu.memref_slice %arg3[%multiple_of3A_41] : memref<1280000xi32, #tpu.memory_space<hbm>> -> memref<400xi32, #tpu.memory_space<hbm>>
    %dma_start3A_43 = tpu.memref_slice %arg3[%multiple_of3A_41] : memref<1280000xi32, #tpu.memory_space<hbm>> -> memref<400xi32, #tpu.memory_space<hbm>>
    tpu.enqueue_dma source(%dma_start3A_43 : memref<400xi32, #tpu.memory_space<hbm>>) target(%arg7 : memref<400xi32, #tpu.memory_space<vmem>>) target_semaphore(%arg13 : memref<!tpu.dma_semaphore, #tpu.memory_space<semaphore_mem>>)
    %add3A_44 = arith.constant 400 : i32
    %add3A_45 = arith.addi %add3A_30, %add3A_44 : i32
    %multiple_of3A_46 = tpu.assume_multiple %add3A_45, 8 : i32
    %dma_start3A_47 = tpu.memref_slice %arg3[%multiple_of3A_46] : memref<1280000xi32, #tpu.memory_space<hbm>> -> memref<400xi32, #tpu.memory_space<hbm>>
    %dma_start3A_48 = tpu.memref_slice %arg3[%multiple_of3A_46] : memref<1280000xi32, #tpu.memory_space<hbm>> -> memref<400xi32, #tpu.memory_space<hbm>>
    tpu.enqueue_dma source(%dma_start3A_48 : memref<400xi32, #tpu.memory_space<hbm>>) target(%arg8 : memref<400xi32, #tpu.memory_space<vmem>>) target_semaphore(%arg13 : memref<!tpu.dma_semaphore, #tpu.memory_space<semaphore_mem>>)
    %dma_wait3A = arith.constant 0 : i32
    %dma_wait3A_49 = tpu.memref_slice %arg3[%dma_wait3A] : memref<1280000xi32, #tpu.memory_space<hbm>> -> memref<400xi32, #tpu.memory_space<hbm>>
    %dma_wait3A_50 = arith.constant 0 : i32
    %dma_wait3A_51 = tpu.memref_slice %arg3[%dma_wait3A_50] : memref<1280000xi32, #tpu.memory_space<hbm>> -> memref<400xi32, #tpu.memory_space<hbm>>
    tpu.wait_dma2 semaphore(%arg12 : memref<!tpu.dma_semaphore, #tpu.memory_space<semaphore_mem>>) src(%dma_wait3A_51 : memref<400xi32, #tpu.memory_space<hbm>>) dst(%arg5 : memref<400xi32, #tpu.memory_space<vmem>>)
    %dma_wait3A_52 = arith.constant 0 : i32
    %dma_wait3A_53 = tpu.memref_slice %arg3[%dma_wait3A_52] : memref<1280000xi32, #tpu.memory_space<hbm>> -> memref<400xi32, #tpu.memory_space<hbm>>
    %dma_wait3A_54 = arith.constant 0 : i32
    %dma_wait3A_55 = tpu.memref_slice %arg3[%dma_wait3A_54] : memref<1280000xi32, #tpu.memory_space<hbm>> -> memref<400xi32, #tpu.memory_space<hbm>>
    tpu.wait_dma2 semaphore(%arg12 : memref<!tpu.dma_semaphore, #tpu.memory_space<semaphore_mem>>) src(%dma_wait3A_55 : memref<400xi32, #tpu.memory_space<hbm>>) dst(%arg6 : memref<400xi32, #tpu.memory_space<vmem>>)
    %dma_start3A_56 = arith.constant 0 : i32
    %dma_start3A_57 = arith.constant 0 : i32
    %dma_start3A_58 = tpu.memref_slice %arg2[%arg0, %dma_start3A_56, %dma_start3A_57] : memref<2x10000x64xf32, #tpu.memory_space<hbm>> -> memref<1x10000x64xf32, #tpu.memory_space<hbm>>
    %dma_start3A_59 = tpu.memref_squeeze %dma_start3A_58 : memref<1x10000x64xf32, #tpu.memory_space<hbm>> -> memref<10000x64xf32, #tpu.memory_space<hbm>>
    %dma_start3A_60 = arith.constant 0 : i32
    %dma_start3A_61 = arith.constant 0 : i32
    %dma_start3A_62 = tpu.memref_slice %dma_start3A_59[%dma_start3A_60, %dma_start3A_61] : memref<10000x64xf32, #tpu.memory_space<hbm>> -> memref<10000x64xf32, #tpu.memory_space<hbm>>
    tpu.enqueue_indirect_dma source(%dma_start3A_62 : memref<10000x64xf32, #tpu.memory_space<hbm>>) target(%arg9 : memref<400x64xf32, #tpu.memory_space<vmem>>) offsets(%arg5 : memref<400xi32, #tpu.memory_space<vmem>>) semaphore(%arg14 : memref<!tpu.dma_semaphore, #tpu.memory_space<semaphore_mem>>)
    %scan3A_63 = arith.constant 0 : i32
    %scan3A_64 = arith.constant 0 : i32
    %scan3A_65 = arith.constant 25 : i32
    %scan3A_66 = arith.addi %scan3A_64, %scan3A_65 : i32
    %scan3A_67 = arith.constant 1 : i32
    %scan3A_68 = scf.for %scan3A_85 = %scan3A_64 to %scan3A_66 step %scan3A_67 iter_args(%scan3A_86 = %scan3A_63) -> (i32)  : i32 {
      %mul3A_87 = arith.constant 2 : i32
      %mul3A_88 = arith.muli %mul3A_87, %scan3A_85 : i32
      %dma_wait3A_89 = arith.constant 0 : i32
      %dma_wait3A_90 = arith.constant 0 : i32
      %dma_wait3A_91 = tpu.memref_slice %arg2[%arg0, %dma_wait3A_89, %dma_wait3A_90] : memref<2x10000x64xf32, #tpu.memory_space<hbm>> -> memref<1x10000x64xf32, #tpu.memory_space<hbm>>
      %dma_wait3A_92 = tpu.memref_squeeze %dma_wait3A_91 : memref<1x10000x64xf32, #tpu.memory_space<hbm>> -> memref<10000x64xf32, #tpu.memory_space<hbm>>
      %dma_wait3A_93 = arith.constant 0 : i32
      %dma_wait3A_94 = arith.constant 0 : i32
      %dma_wait3A_95 = tpu.memref_slice %dma_wait3A_92[%dma_wait3A_93, %dma_wait3A_94] : memref<10000x64xf32, #tpu.memory_space<hbm>> -> memref<10000x64xf32, #tpu.memory_space<hbm>>
      tpu.wait_indirect_dma semaphore(%arg14 : memref<!tpu.dma_semaphore, #tpu.memory_space<semaphore_mem>>) src(%dma_wait3A_95 : memref<10000x64xf32, #tpu.memory_space<hbm>>) dst(%arg9 : memref<400x64xf32, #tpu.memory_space<vmem>>)
      %dma_wait3A_96 = arith.constant 0 : i32
      %dma_wait3A_97 = tpu.memref_slice %arg3[%dma_wait3A_96] : memref<1280000xi32, #tpu.memory_space<hbm>> -> memref<400xi32, #tpu.memory_space<hbm>>
      %dma_wait3A_98 = arith.constant 0 : i32
      %dma_wait3A_99 = tpu.memref_slice %arg3[%dma_wait3A_98] : memref<1280000xi32, #tpu.memory_space<hbm>> -> memref<400xi32, #tpu.memory_space<hbm>>
      tpu.wait_dma2 semaphore(%arg13 : memref<!tpu.dma_semaphore, #tpu.memory_space<semaphore_mem>>) src(%dma_wait3A_99 : memref<400xi32, #tpu.memory_space<hbm>>) dst(%arg7 : memref<400xi32, #tpu.memory_space<vmem>>)
      %dma_wait3A_100 = arith.constant 0 : i32
      %dma_wait3A_101 = tpu.memref_slice %arg3[%dma_wait3A_100] : memref<1280000xi32, #tpu.memory_space<hbm>> -> memref<400xi32, #tpu.memory_space<hbm>>
      %dma_wait3A_102 = arith.constant 0 : i32
      %dma_wait3A_103 = tpu.memref_slice %arg3[%dma_wait3A_102] : memref<1280000xi32, #tpu.memory_space<hbm>> -> memref<400xi32, #tpu.memory_space<hbm>>
      tpu.wait_dma2 semaphore(%arg13 : memref<!tpu.dma_semaphore, #tpu.memory_space<semaphore_mem>>) src(%dma_wait3A_103 : memref<400xi32, #tpu.memory_space<hbm>>) dst(%arg8 : memref<400xi32, #tpu.memory_space<vmem>>)
      %dma_start3A_104 = arith.constant 0 : i32
      %dma_start3A_105 = arith.constant 0 : i32
      %dma_start3A_106 = tpu.memref_slice %arg2[%arg0, %dma_start3A_104, %dma_start3A_105] : memref<2x10000x64xf32, #tpu.memory_space<hbm>> -> memref<1x10000x64xf32, #tpu.memory_space<hbm>>
      %dma_start3A_107 = tpu.memref_squeeze %dma_start3A_106 : memref<1x10000x64xf32, #tpu.memory_space<hbm>> -> memref<10000x64xf32, #tpu.memory_space<hbm>>
      %dma_start3A_108 = arith.constant 0 : i32
      %dma_start3A_109 = arith.constant 0 : i32
      %dma_start3A_110 = tpu.memref_slice %dma_start3A_107[%dma_start3A_108, %dma_start3A_109] : memref<10000x64xf32, #tpu.memory_space<hbm>> -> memref<10000x64xf32, #tpu.memory_space<hbm>>
      tpu.enqueue_indirect_dma source(%dma_start3A_110 : memref<10000x64xf32, #tpu.memory_space<hbm>>) target(%arg10 : memref<400x64xf32, #tpu.memory_space<vmem>>) offsets(%arg7 : memref<400xi32, #tpu.memory_space<vmem>>) semaphore(%arg15 : memref<!tpu.dma_semaphore, #tpu.memory_space<semaphore_mem>>)
      %dma_start3A_111 = arith.constant 0 : i32
      %dma_start3A_112 = arith.constant 0 : i32
      %dma_start3A_113 = tpu.memref_slice %arg11[%dma_start3A_111, %dma_start3A_112] : memref<10000x64xf32, #tpu.memory_space<vmem_shared>> -> memref<10000x64xf32, #tpu.memory_space<vmem_shared>>
      tpu.enqueue_indirect_dma source(%arg9 : memref<400x64xf32, #tpu.memory_space<vmem>>) target(%dma_start3A_113 : memref<10000x64xf32, #tpu.memory_space<vmem_shared>>) offsets(%arg6 : memref<400xi32, #tpu.memory_space<vmem>>) semaphore(%arg16 : memref<!tpu.dma_semaphore, #tpu.memory_space<semaphore_mem>>) {add = true}
      %dma_wait3A_114 = arith.constant 0 : i32
      %dma_wait3A_115 = arith.constant 0 : i32
      %dma_wait3A_116 = tpu.memref_slice %arg11[%dma_wait3A_114, %dma_wait3A_115] : memref<10000x64xf32, #tpu.memory_space<vmem_shared>> -> memref<10000x64xf32, #tpu.memory_space<vmem_shared>>
      tpu.wait_indirect_dma semaphore(%arg16 : memref<!tpu.dma_semaphore, #tpu.memory_space<semaphore_mem>>) src(%arg9 : memref<400x64xf32, #tpu.memory_space<vmem>>) dst(%dma_wait3A_116 : memref<10000x64xf32, #tpu.memory_space<vmem_shared>>)
      %add3A_117 = arith.constant 2 : i32
      %add3A_118 = arith.addi %mul3A_88, %add3A_117 : i32
      %lt3A_119 = arith.constant 50 : i32
      %lt3A_120 = arith.cmpi slt, %add3A_118, %lt3A_119 : i32
      %convert_element_type3A_121 = arith.extui %lt3A_120 : i1 to i32
      %cond3A_122 = arith.constant 0 : i32
      %cond3A_123 = arith.cmpi ne, %convert_element_type3A_121, %cond3A_122 : i32
      scf.if %cond3A_123 {
        %add3A_152 = arith.constant 2 : i32
        %add3A_153 = arith.addi %mul3A_88, %add3A_152 : i32
        %mul3A_154 = arith.constant 400 : i32
        %mul3A_155 = arith.muli %add3A_153, %mul3A_154 : i32
        %add3A_156 = arith.addi %add3A_21, %mul3A_155 : i32
        %multiple_of3A_157 = tpu.assume_multiple %add3A_156, 8 : i32
        %dma_start3A_158 = tpu.memref_slice %arg3[%multiple_of3A_157] : memref<1280000xi32, #tpu.memory_space<hbm>> -> memref<400xi32, #tpu.memory_space<hbm>>
        %dma_start3A_159 = tpu.memref_slice %arg3[%multiple_of3A_157] : memref<1280000xi32, #tpu.memory_space<hbm>> -> memref<400xi32, #tpu.memory_space<hbm>>
        tpu.enqueue_dma source(%dma_start3A_159 : memref<400xi32, #tpu.memory_space<hbm>>) target(%arg5 : memref<400xi32, #tpu.memory_space<vmem>>) target_semaphore(%arg12 : memref<!tpu.dma_semaphore, #tpu.memory_space<semaphore_mem>>)
        %mul3A_160 = arith.constant 400 : i32
        %mul3A_161 = arith.muli %add3A_153, %mul3A_160 : i32
        %add3A_162 = arith.addi %add3A_30, %mul3A_161 : i32
        %multiple_of3A_163 = tpu.assume_multiple %add3A_162, 8 : i32
        %dma_start3A_164 = tpu.memref_slice %arg3[%multiple_of3A_163] : memref<1280000xi32, #tpu.memory_space<hbm>> -> memref<400xi32, #tpu.memory_space<hbm>>
        %dma_start3A_165 = tpu.memref_slice %arg3[%multiple_of3A_163] : memref<1280000xi32, #tpu.memory_space<hbm>> -> memref<400xi32, #tpu.memory_space<hbm>>
        tpu.enqueue_dma source(%dma_start3A_165 : memref<400xi32, #tpu.memory_space<hbm>>) target(%arg6 : memref<400xi32, #tpu.memory_space<vmem>>) target_semaphore(%arg12 : memref<!tpu.dma_semaphore, #tpu.memory_space<semaphore_mem>>)
      } else {
      }
      %dma_wait3A_124 = arith.constant 0 : i32
      %dma_wait3A_125 = arith.constant 0 : i32
      %dma_wait3A_126 = tpu.memref_slice %arg2[%arg0, %dma_wait3A_124, %dma_wait3A_125] : memref<2x10000x64xf32, #tpu.memory_space<hbm>> -> memref<1x10000x64xf32, #tpu.memory_space<hbm>>
      %dma_wait3A_127 = tpu.memref_squeeze %dma_wait3A_126 : memref<1x10000x64xf32, #tpu.memory_space<hbm>> -> memref<10000x64xf32, #tpu.memory_space<hbm>>
      %dma_wait3A_128 = arith.constant 0 : i32
      %dma_wait3A_129 = arith.constant 0 : i32
      %dma_wait3A_130 = tpu.memref_slice %dma_wait3A_127[%dma_wait3A_128, %dma_wait3A_129] : memref<10000x64xf32, #tpu.memory_space<hbm>> -> memref<10000x64xf32, #tpu.memory_space<hbm>>
      tpu.wait_indirect_dma semaphore(%arg15 : memref<!tpu.dma_semaphore, #tpu.memory_space<semaphore_mem>>) src(%dma_wait3A_130 : memref<10000x64xf32, #tpu.memory_space<hbm>>) dst(%arg10 : memref<400x64xf32, #tpu.memory_space<vmem>>)
      %add3A_131 = arith.constant 2 : i32
      %add3A_132 = arith.addi %mul3A_88, %add3A_131 : i32
      %lt3A_133 = arith.constant 50 : i32
      %lt3A_134 = arith.cmpi slt, %add3A_132, %lt3A_133 : i32
      %convert_element_type3A_135 = arith.extui %lt3A_134 : i1 to i32
      %cond3A_136 = arith.constant 0 : i32
      %cond3A_137 = arith.cmpi ne, %convert_element_type3A_135, %cond3A_136 : i32
      scf.if %cond3A_137 {
        %dma_wait3A_152 = arith.constant 0 : i32
        %dma_wait3A_153 = tpu.memref_slice %arg3[%dma_wait3A_152] : memref<1280000xi32, #tpu.memory_space<hbm>> -> memref<400xi32, #tpu.memory_space<hbm>>
        %dma_wait3A_154 = arith.constant 0 : i32
        %dma_wait3A_155 = tpu.memref_slice %arg3[%dma_wait3A_154] : memref<1280000xi32, #tpu.memory_space<hbm>> -> memref<400xi32, #tpu.memory_space<hbm>>
        tpu.wait_dma2 semaphore(%arg12 : memref<!tpu.dma_semaphore, #tpu.memory_space<semaphore_mem>>) src(%dma_wait3A_155 : memref<400xi32, #tpu.memory_space<hbm>>) dst(%arg5 : memref<400xi32, #tpu.memory_space<vmem>>)
        %dma_wait3A_156 = arith.constant 0 : i32
        %dma_wait3A_157 = tpu.memref_slice %arg3[%dma_wait3A_156] : memref<1280000xi32, #tpu.memory_space<hbm>> -> memref<400xi32, #tpu.memory_space<hbm>>
        %dma_wait3A_158 = arith.constant 0 : i32
        %dma_wait3A_159 = tpu.memref_slice %arg3[%dma_wait3A_158] : memref<1280000xi32, #tpu.memory_space<hbm>> -> memref<400xi32, #tpu.memory_space<hbm>>
        tpu.wait_dma2 semaphore(%arg12 : memref<!tpu.dma_semaphore, #tpu.memory_space<semaphore_mem>>) src(%dma_wait3A_159 : memref<400xi32, #tpu.memory_space<hbm>>) dst(%arg6 : memref<400xi32, #tpu.memory_space<vmem>>)
        %dma_start3A_160 = arith.constant 0 : i32
        %dma_start3A_161 = arith.constant 0 : i32
        %dma_start3A_162 = tpu.memref_slice %arg2[%arg0, %dma_start3A_160, %dma_start3A_161] : memref<2x10000x64xf32, #tpu.memory_space<hbm>> -> memref<1x10000x64xf32, #tpu.memory_space<hbm>>
        %dma_start3A_163 = tpu.memref_squeeze %dma_start3A_162 : memref<1x10000x64xf32, #tpu.memory_space<hbm>> -> memref<10000x64xf32, #tpu.memory_space<hbm>>
        %dma_start3A_164 = arith.constant 0 : i32
        %dma_start3A_165 = arith.constant 0 : i32
        %dma_start3A_166 = tpu.memref_slice %dma_start3A_163[%dma_start3A_164, %dma_start3A_165] : memref<10000x64xf32, #tpu.memory_space<hbm>> -> memref<10000x64xf32, #tpu.memory_space<hbm>>
        tpu.enqueue_indirect_dma source(%dma_start3A_166 : memref<10000x64xf32, #tpu.memory_space<hbm>>) target(%arg9 : memref<400x64xf32, #tpu.memory_space<vmem>>) offsets(%arg5 : memref<400xi32, #tpu.memory_space<vmem>>) semaphore(%arg14 : memref<!tpu.dma_semaphore, #tpu.memory_space<semaphore_mem>>)
      } else {
      }
      %dma_start3A_138 = arith.constant 0 : i32
      %dma_start3A_139 = arith.constant 0 : i32
      %dma_start3A_140 = tpu.memref_slice %arg11[%dma_start3A_138, %dma_start3A_139] : memref<10000x64xf32, #tpu.memory_space<vmem_shared>> -> memref<10000x64xf32, #tpu.memory_space<vmem_shared>>
      tpu.enqueue_indirect_dma source(%arg10 : memref<400x64xf32, #tpu.memory_space<vmem>>) target(%dma_start3A_140 : memref<10000x64xf32, #tpu.memory_space<vmem_shared>>) offsets(%arg8 : memref<400xi32, #tpu.memory_space<vmem>>) semaphore(%arg17 : memref<!tpu.dma_semaphore, #tpu.memory_space<semaphore_mem>>) {add = true}
      %dma_wait3A_141 = arith.constant 0 : i32
      %dma_wait3A_142 = arith.constant 0 : i32
      %dma_wait3A_143 = tpu.memref_slice %arg11[%dma_wait3A_141, %dma_wait3A_142] : memref<10000x64xf32, #tpu.memory_space<vmem_shared>> -> memref<10000x64xf32, #tpu.memory_space<vmem_shared>>
      tpu.wait_indirect_dma semaphore(%arg17 : memref<!tpu.dma_semaphore, #tpu.memory_space<semaphore_mem>>) src(%arg10 : memref<400x64xf32, #tpu.memory_space<vmem>>) dst(%dma_wait3A_143 : memref<10000x64xf32, #tpu.memory_space<vmem_shared>>)
      %add3A_144 = arith.constant 3 : i32
      %add3A_145 = arith.addi %mul3A_88, %add3A_144 : i32
      %lt3A_146 = arith.constant 50 : i32
      %lt3A_147 = arith.cmpi slt, %add3A_145, %lt3A_146 : i32
      %convert_element_type3A_148 = arith.extui %lt3A_147 : i1 to i32
      %cond3A_149 = arith.constant 0 : i32
      %cond3A_150 = arith.cmpi ne, %convert_element_type3A_148, %cond3A_149 : i32
      scf.if %cond3A_150 {
        %add3A_152 = arith.constant 3 : i32
        %add3A_153 = arith.addi %mul3A_88, %add3A_152 : i32
        %mul3A_154 = arith.constant 400 : i32
        %mul3A_155 = arith.muli %add3A_153, %mul3A_154 : i32
        %add3A_156 = arith.addi %add3A_21, %mul3A_155 : i32
        %multiple_of3A_157 = tpu.assume_multiple %add3A_156, 8 : i32
        %dma_start3A_158 = tpu.memref_slice %arg3[%multiple_of3A_157] : memref<1280000xi32, #tpu.memory_space<hbm>> -> memref<400xi32, #tpu.memory_space<hbm>>
        %dma_start3A_159 = tpu.memref_slice %arg3[%multiple_of3A_157] : memref<1280000xi32, #tpu.memory_space<hbm>> -> memref<400xi32, #tpu.memory_space<hbm>>
        tpu.enqueue_dma source(%dma_start3A_159 : memref<400xi32, #tpu.memory_space<hbm>>) target(%arg7 : memref<400xi32, #tpu.memory_space<vmem>>) target_semaphore(%arg13 : memref<!tpu.dma_semaphore, #tpu.memory_space<semaphore_mem>>)
        %mul3A_160 = arith.constant 400 : i32
        %mul3A_161 = arith.muli %add3A_153, %mul3A_160 : i32
        %add3A_162 = arith.addi %add3A_30, %mul3A_161 : i32
        %multiple_of3A_163 = tpu.assume_multiple %add3A_162, 8 : i32
        %dma_start3A_164 = tpu.memref_slice %arg3[%multiple_of3A_163] : memref<1280000xi32, #tpu.memory_space<hbm>> -> memref<400xi32, #tpu.memory_space<hbm>>
        %dma_start3A_165 = tpu.memref_slice %arg3[%multiple_of3A_163] : memref<1280000xi32, #tpu.memory_space<hbm>> -> memref<400xi32, #tpu.memory_space<hbm>>
        tpu.enqueue_dma source(%dma_start3A_165 : memref<400xi32, #tpu.memory_space<hbm>>) target(%arg8 : memref<400xi32, #tpu.memory_space<vmem>>) target_semaphore(%arg13 : memref<!tpu.dma_semaphore, #tpu.memory_space<semaphore_mem>>)
      } else {
      }
      %scan3A_151 = arith.constant 0 : i32
      scf.yield %scan3A_151 : i32
    }
    %scan3A_69 = arith.constant 25 : i32
    %barrier3A_70 = arith.constant 0 : index
    tpu.barrier barrier_id(%barrier3A_70)
    %add3A_71 = arith.constant 0 : i32
    %add3A_72 = arith.addi %arg1, %add3A_71 : i32
    %lt3A_73 = arith.constant 25 : i32
    %lt3A_74 = arith.cmpi slt, %add3A_72, %lt3A_73 : i32
    %convert_element_type3A_75 = arith.extui %lt3A_74 : i1 to i32
    %cond3A_76 = arith.constant 0 : i32
    %cond3A_77 = arith.cmpi ne, %convert_element_type3A_75, %cond3A_76 : i32
    scf.if %cond3A_77 {
      %mul3A_85 = arith.constant 400 : i32
      %mul3A_86 = arith.muli %add3A_72, %mul3A_85 : i32
      %multiple_of3A_87 = tpu.assume_multiple %mul3A_86, 8 : i32
      "tpu.region"() ({
        %run_scoped3A = tpu.sem_alloc : memref<!tpu.dma_semaphore, #tpu.memory_space<semaphore_mem>>
        %dma_start3A_88 = arith.constant 0 : i32
        %dma_start3A_89 = tpu.memref_slice %arg11[%multiple_of3A_87, %dma_start3A_88] : memref<10000x64xf32, #tpu.memory_space<vmem_shared>> -> memref<400x64xf32, #tpu.memory_space<vmem_shared>>
        %dma_start3A_90 = arith.constant 0 : i32
        %dma_start3A_91 = tpu.memref_slice %arg11[%multiple_of3A_87, %dma_start3A_90] : memref<10000x64xf32, #tpu.memory_space<vmem_shared>> -> memref<400x64xf32, #tpu.memory_space<vmem_shared>>
        tpu.enqueue_dma source(%dma_start3A_91 : memref<400x64xf32, #tpu.memory_space<vmem_shared>>) target(%arg9 : memref<400x64xf32, #tpu.memory_space<vmem>>) target_semaphore(%run_scoped3A : memref<!tpu.dma_semaphore, #tpu.memory_space<semaphore_mem>>)
        %dma_wait3A_92 = arith.constant 0 : i32
        %dma_wait3A_93 = tpu.memref_slice %arg11[%multiple_of3A_87, %dma_wait3A_92] : memref<10000x64xf32, #tpu.memory_space<vmem_shared>> -> memref<400x64xf32, #tpu.memory_space<vmem_shared>>
        %dma_wait3A_94 = arith.constant 0 : i32
        %dma_wait3A_95 = tpu.memref_slice %arg11[%multiple_of3A_87, %dma_wait3A_94] : memref<10000x64xf32, #tpu.memory_space<vmem_shared>> -> memref<400x64xf32, #tpu.memory_space<vmem_shared>>
        tpu.wait_dma2 semaphore(%run_scoped3A : memref<!tpu.dma_semaphore, #tpu.memory_space<semaphore_mem>>) src(%dma_wait3A_95 : memref<400x64xf32, #tpu.memory_space<vmem_shared>>) dst(%arg9 : memref<400x64xf32, #tpu.memory_space<vmem>>)
        tpu.yield
      }) : () -> ()
      "tpu.region"() ({
        %run_scoped3A = tpu.sem_alloc : memref<!tpu.dma_semaphore, #tpu.memory_space<semaphore_mem>>
        %dma_start3A_88 = arith.constant 0 : i32
        %dma_start3A_89 = tpu.memref_slice %arg4[%arg0, %multiple_of3A_87, %dma_start3A_88] : memref<2x10000x64xf32, #tpu.memory_space<hbm>> -> memref<1x400x64xf32, #tpu.memory_space<hbm>>
        %dma_start3A_90 = tpu.memref_squeeze %dma_start3A_89 : memref<1x400x64xf32, #tpu.memory_space<hbm>> -> memref<400x64xf32, #tpu.memory_space<hbm>>
        %dma_start3A_91 = arith.constant 0 : i32
        %dma_start3A_92 = tpu.memref_slice %arg4[%arg0, %multiple_of3A_87, %dma_start3A_91] : memref<2x10000x64xf32, #tpu.memory_space<hbm>> -> memref<1x400x64xf32, #tpu.memory_space<hbm>>
        %dma_start3A_93 = tpu.memref_squeeze %dma_start3A_92 : memref<1x400x64xf32, #tpu.memory_space<hbm>> -> memref<400x64xf32, #tpu.memory_space<hbm>>
        tpu.enqueue_dma source(%arg9 : memref<400x64xf32, #tpu.memory_space<vmem>>) target(%dma_start3A_93 : memref<400x64xf32, #tpu.memory_space<hbm>>) target_semaphore(%run_scoped3A : memref<!tpu.dma_semaphore, #tpu.memory_space<semaphore_mem>>)
        %dma_wait3A_94 = arith.constant 0 : i32
        %dma_wait3A_95 = tpu.memref_slice %arg4[%arg0, %multiple_of3A_87, %dma_wait3A_94] : memref<2x10000x64xf32, #tpu.memory_space<hbm>> -> memref<1x400x64xf32, #tpu.memory_space<hbm>>
        %dma_wait3A_96 = tpu.memref_squeeze %dma_wait3A_95 : memref<1x400x64xf32, #tpu.memory_space<hbm>> -> memref<400x64xf32, #tpu.memory_space<hbm>>
        %dma_wait3A_97 = arith.constant 0 : i32
        %dma_wait3A_98 = tpu.memref_slice %arg4[%arg0, %multiple_of3A_87, %dma_wait3A_97] : memref<2x10000x64xf32, #tpu.memory_space<hbm>> -> memref<1x400x64xf32, #tpu.memory_space<hbm>>
        %dma_wait3A_99 = tpu.memref_squeeze %dma_wait3A_98 : memref<1x400x64xf32, #tpu.memory_space<hbm>> -> memref<400x64xf32, #tpu.memory_space<hbm>>
        tpu.wait_dma2 semaphore(%run_scoped3A : memref<!tpu.dma_semaphore, #tpu.memory_space<semaphore_mem>>) src(%arg9 : memref<400x64xf32, #tpu.memory_space<vmem>>) dst(%dma_wait3A_99 : memref<400x64xf32, #tpu.memory_space<hbm>>)
        tpu.yield
      }) : () -> ()
    } else {
    }
    %add3A_78 = arith.constant 16 : i32
    %add3A_79 = arith.addi %arg1, %add3A_78 : i32
    %lt3A_80 = arith.constant 25 : i32
    %lt3A_81 = arith.cmpi slt, %add3A_79, %lt3A_80 : i32
    %convert_element_type3A_82 = arith.extui %lt3A_81 : i1 to i32
    %cond3A_83 = arith.constant 0 : i32
    %cond3A_84 = arith.cmpi ne, %convert_element_type3A_82, %cond3A_83 : i32
    scf.if %cond3A_84 {
      %mul3A_85 = arith.constant 400 : i32
      %mul3A_86 = arith.muli %add3A_79, %mul3A_85 : i32
      %multiple_of3A_87 = tpu.assume_multiple %mul3A_86, 8 : i32
      "tpu.region"() ({
        %run_scoped3A = tpu.sem_alloc : memref<!tpu.dma_semaphore, #tpu.memory_space<semaphore_mem>>
        %dma_start3A_88 = arith.constant 0 : i32
        %dma_start3A_89 = tpu.memref_slice %arg11[%multiple_of3A_87, %dma_start3A_88] : memref<10000x64xf32, #tpu.memory_space<vmem_shared>> -> memref<400x64xf32, #tpu.memory_space<vmem_shared>>
        %dma_start3A_90 = arith.constant 0 : i32
        %dma_start3A_91 = tpu.memref_slice %arg11[%multiple_of3A_87, %dma_start3A_90] : memref<10000x64xf32, #tpu.memory_space<vmem_shared>> -> memref<400x64xf32, #tpu.memory_space<vmem_shared>>
        tpu.enqueue_dma source(%dma_start3A_91 : memref<400x64xf32, #tpu.memory_space<vmem_shared>>) target(%arg9 : memref<400x64xf32, #tpu.memory_space<vmem>>) target_semaphore(%run_scoped3A : memref<!tpu.dma_semaphore, #tpu.memory_space<semaphore_mem>>)
        %dma_wait3A_92 = arith.constant 0 : i32
        %dma_wait3A_93 = tpu.memref_slice %arg11[%multiple_of3A_87, %dma_wait3A_92] : memref<10000x64xf32, #tpu.memory_space<vmem_shared>> -> memref<400x64xf32, #tpu.memory_space<vmem_shared>>
        %dma_wait3A_94 = arith.constant 0 : i32
        %dma_wait3A_95 = tpu.memref_slice %arg11[%multiple_of3A_87, %dma_wait3A_94] : memref<10000x64xf32, #tpu.memory_space<vmem_shared>> -> memref<400x64xf32, #tpu.memory_space<vmem_shared>>
        tpu.wait_dma2 semaphore(%run_scoped3A : memref<!tpu.dma_semaphore, #tpu.memory_space<semaphore_mem>>) src(%dma_wait3A_95 : memref<400x64xf32, #tpu.memory_space<vmem_shared>>) dst(%arg9 : memref<400x64xf32, #tpu.memory_space<vmem>>)
        tpu.yield
      }) : () -> ()
      "tpu.region"() ({
        %run_scoped3A = tpu.sem_alloc : memref<!tpu.dma_semaphore, #tpu.memory_space<semaphore_mem>>
        %dma_start3A_88 = arith.constant 0 : i32
        %dma_start3A_89 = tpu.memref_slice %arg4[%arg0, %multiple_of3A_87, %dma_start3A_88] : memref<2x10000x64xf32, #tpu.memory_space<hbm>> -> memref<1x400x64xf32, #tpu.memory_space<hbm>>
        %dma_start3A_90 = tpu.memref_squeeze %dma_start3A_89 : memref<1x400x64xf32, #tpu.memory_space<hbm>> -> memref<400x64xf32, #tpu.memory_space<hbm>>
        %dma_start3A_91 = arith.constant 0 : i32
        %dma_start3A_92 = tpu.memref_slice %arg4[%arg0, %multiple_of3A_87, %dma_start3A_91] : memref<2x10000x64xf32, #tpu.memory_space<hbm>> -> memref<1x400x64xf32, #tpu.memory_space<hbm>>
        %dma_start3A_93 = tpu.memref_squeeze %dma_start3A_92 : memref<1x400x64xf32, #tpu.memory_space<hbm>> -> memref<400x64xf32, #tpu.memory_space<hbm>>
        tpu.enqueue_dma source(%arg9 : memref<400x64xf32, #tpu.memory_space<vmem>>) target(%dma_start3A_93 : memref<400x64xf32, #tpu.memory_space<hbm>>) target_semaphore(%run_scoped3A : memref<!tpu.dma_semaphore, #tpu.memory_space<semaphore_mem>>)
        %dma_wait3A_94 = arith.constant 0 : i32
        %dma_wait3A_95 = tpu.memref_slice %arg4[%arg0, %multiple_of3A_87, %dma_wait3A_94] : memref<2x10000x64xf32, #tpu.memory_space<hbm>> -> memref<1x400x64xf32, #tpu.memory_space<hbm>>
        %dma_wait3A_96 = tpu.memref_squeeze %dma_wait3A_95 : memref<1x400x64xf32, #tpu.memory_space<hbm>> -> memref<400x64xf32, #tpu.memory_space<hbm>>
        %dma_wait3A_97 = arith.constant 0 : i32
        %dma_wait3A_98 = tpu.memref_slice %arg4[%arg0, %multiple_of3A_87, %dma_wait3A_97] : memref<2x10000x64xf32, #tpu.memory_space<hbm>> -> memref<1x400x64xf32, #tpu.memory_space<hbm>>
        %dma_wait3A_99 = tpu.memref_squeeze %dma_wait3A_98 : memref<1x400x64xf32, #tpu.memory_space<hbm>> -> memref<400x64xf32, #tpu.memory_space<hbm>>
        tpu.wait_dma2 semaphore(%run_scoped3A : memref<!tpu.dma_semaphore, #tpu.memory_space<semaphore_mem>>) src(%arg9 : memref<400x64xf32, #tpu.memory_space<vmem>>) dst(%dma_wait3A_99 : memref<400x64xf32, #tpu.memory_space<hbm>>)
        tpu.yield
      }) : () -> ()
    } else {
    }
    return
  }
}

module attributes {stable_mosaic.version = 14 : i64} {
  func.func @body(%arg0: i32, %arg1: i32, %arg2: memref<1000x128xf32, #tpu.memory_space<vmem>>, %arg3: memref<1000x2xf32, #tpu.memory_space<vmem>>, %arg4: memref<1x128x64xf32, #tpu.memory_space<vmem>>, %arg5: memref<1x1000x64xf32, #tpu.memory_space<vmem>>) attributes {dimension_semantics = [#tpu.dimension_semantics<arbitrary>, #tpu.dimension_semantics<arbitrary>], iteration_bounds = array<i64: 2, 10>, scalar_prefetch = 0 : i64, scratch_operands = 0 : i64, tpu.core_type = #tpu.core_type<tc>, window_params = [{transform_indices = @transform_0, window_bounds = array<i64: 1000, 128>}, {transform_indices = @transform_1, window_bounds = array<i64: 1000, 2>}, {transform_indices = @transform_2, window_bounds = array<i64: 1, 128, 64>}, {transform_indices = @transform_3, window_bounds = array<i64: 1, 1000, 64>}]} {
    %get3A = arith.constant 0 : index
    %get3A_0 = arith.constant 0 : index
    %get3A_1 = vector.load %arg3[%get3A, %get3A_0] : memref<1000x2xf32, #tpu.memory_space<vmem>>, vector<1000x2xf32>
    %max3A = arith.constant 1.000000e+00 : f32
    %max3A_2 = vector.broadcast %max3A : f32 to vector<1000x2xf32>
    %max3A_3 = arith.maximumf %get3A_1, %max3A_2 : vector<1000x2xf32>
    %rsqrt3A = math.rsqrt %max3A_3 : vector<1000x2xf32>
    %iota3A = tpu.iota {dimensions = array<i32: 0>} : vector<2x1xi32>
    %eq3A = vector.broadcast %arg0 : i32 to vector<2x1xi32>
    %eq3A_4 = arith.cmpi eq, %iota3A, %eq3A : vector<2x1xi32>
    %convert_element_type3A = arith.extui %eq3A_4 : vector<2x1xi1> to vector<2x1xi32>
    %convert_element_type3A_5 = arith.sitofp %convert_element_type3A : vector<2x1xi32> to vector<2x1xf32>
    %dot_general3A = arith.constant dense<0.000000e+00> : vector<1000x1xf32>
    %dot_general3A_6 = tpu.matmul %rsqrt3A, %convert_element_type3A_5, %dot_general3A {dimension_numbers = #tpu.dot_dimension_numbers<[1], [0], [0], [1], [0, 0, 1, 1], [], []>, transpose_lhs_hint = false} : vector<1000x2xf32>, vector<2x1xf32>, vector<1000x1xf32> -> vector<1000x1xf32>
    %get3A_7 = arith.constant 0 : index
    %get3A_8 = arith.constant 0 : index
    %get3A_9 = vector.load %arg2[%get3A_7, %get3A_8] : memref<1000x128xf32, #tpu.memory_space<vmem>>, vector<1000x128xf32>
    %get3A_10 = arith.constant 0 : index
    %get3A_11 = arith.constant 0 : index
    %get3A_12 = arith.constant 0 : index
    %get3A_13 = vector.load %arg4[%get3A_10, %get3A_11, %get3A_12] : memref<1x128x64xf32, #tpu.memory_space<vmem>>, vector<1x128x64xf32>
    %get3A_14 = vector.shape_cast %get3A_13 : vector<1x128x64xf32> to vector<128x64xf32>
    %dot_general3A_15 = arith.constant dense<0.000000e+00> : vector<1000x64xf32>
    %dot_general3A_16 = tpu.matmul %get3A_9, %get3A_14, %dot_general3A_15 {dimension_numbers = #tpu.dot_dimension_numbers<[1], [0], [0], [1], [0, 0, 1, 1], [], []>, transpose_lhs_hint = false} : vector<1000x128xf32>, vector<128x64xf32>, vector<1000x64xf32> -> vector<1000x64xf32>
    %mul3A = vector.broadcast %dot_general3A_6 : vector<1000x1xf32> to vector<1000x64xf32>
    %mul3A_17 = arith.mulf %dot_general3A_16, %mul3A : vector<1000x64xf32>
    %swap3A = arith.constant 0 : index
    %swap3A_18 = arith.constant 0 : index
    %swap3A_19 = arith.constant 0 : index
    %swap3A_20 = vector.load %arg5[%swap3A, %swap3A_18, %swap3A_19] : memref<1x1000x64xf32, #tpu.memory_space<vmem>>, vector<1x1000x64xf32>
    %swap3A_21 = vector.shape_cast %swap3A_20 : vector<1x1000x64xf32> to vector<1000x64xf32>
    %swap3A_22 = vector.shape_cast %mul3A_17 : vector<1000x64xf32> to vector<1x1000x64xf32>
    tpu.vector_store %arg5[%swap3A, %swap3A_18, %swap3A_19], %swap3A_22 {strides = array<i32>} : memref<1x1000x64xf32, #tpu.memory_space<vmem>>, vector<1x1000x64xf32>,
    return
  }
  func.func @transform_0(%arg0: i32, %arg1: i32) -> (i32, i32) {
    %c0_i32 = arith.constant 0 : i32
    %c0_i32_0 = arith.constant 0 : i32
    return %arg1, %c0_i32 : i32, i32
  }
  func.func @transform_1(%arg0: i32, %arg1: i32) -> (i32, i32) {
    %c0_i32 = arith.constant 0 : i32
    %c0_i32_0 = arith.constant 0 : i32
    return %arg1, %c0_i32 : i32, i32
  }
  func.func @transform_2(%arg0: i32, %arg1: i32) -> (i32, i32, i32) {
    %c0_i32 = arith.constant 0 : i32
    %c0_i32_0 = arith.constant 0 : i32
    %c0_i32_1 = arith.constant 0 : i32
    return %arg0, %c0_i32, %c0_i32_0 : i32, i32, i32
  }
  func.func @transform_3(%arg0: i32, %arg1: i32) -> (i32, i32, i32) {
    %c0_i32 = arith.constant 0 : i32
    %c0_i32_0 = arith.constant 0 : i32
    return %arg0, %arg1, %c0_i32 : i32, i32, i32
  }
}

module attributes {stable_mosaic.version = 14 : i64} {
  func.func @body(%arg0: i32, %arg1: i32, %arg2: memref<1x1000x64xf32, #tpu.memory_space<vmem>>, %arg3: memref<1000x2xf32, #tpu.memory_space<vmem>>, %arg4: memref<1x1x64xf32, #tpu.memory_space<vmem>>, %arg5: memref<64x128xf32, #tpu.memory_space<vmem>>, %arg6: memref<1x128xf32, #tpu.memory_space<vmem>>, %arg7: memref<128x1xf32, #tpu.memory_space<vmem>>, %arg8: memref<1x1000x64xf32, #tpu.memory_space<vmem>>, %arg9: memref<8x128xf32, #tpu.memory_space<vmem>>) attributes {dimension_semantics = [#tpu.dimension_semantics<arbitrary>, #tpu.dimension_semantics<arbitrary>], iteration_bounds = array<i64: 2, 10>, scalar_prefetch = 0 : i64, scratch_operands = 0 : i64, tpu.core_type = #tpu.core_type<tc>, window_params = [{transform_indices = @transform_0, window_bounds = array<i64: 1, 1000, 64>}, {transform_indices = @transform_1, window_bounds = array<i64: 1000, 2>}, {transform_indices = @transform_2, window_bounds = array<i64: 1, 1, 64>}, {pipeline_mode = #tpu.pipeline_mode<synchronous>, transform_indices = @transform_3, window_bounds = array<i64: 64, 128>}, {pipeline_mode = #tpu.pipeline_mode<synchronous>, transform_indices = @transform_4, window_bounds = array<i64: 1, 128>}, {pipeline_mode = #tpu.pipeline_mode<synchronous>, transform_indices = @transform_5, window_bounds = array<i64: 128, 1>}, {transform_indices = @transform_6, window_bounds = array<i64: 1, 1000, 64>}, {transform_indices = @transform_7, window_bounds = array<i64: 8, 128>}]} {
    %get3A = arith.constant 0 : index
    %get3A_0 = arith.constant 0 : index
    %get3A_1 = vector.load %arg3[%get3A, %get3A_0] : memref<1000x2xf32, #tpu.memory_space<vmem>>, vector<1000x2xf32>
    %max3A = arith.constant 1.000000e+00 : f32
    %max3A_2 = vector.broadcast %max3A : f32 to vector<1000x2xf32>
    %max3A_3 = arith.maximumf %get3A_1, %max3A_2 : vector<1000x2xf32>
    %rsqrt3A = math.rsqrt %max3A_3 : vector<1000x2xf32>
    %iota3A = tpu.iota {dimensions = array<i32: 0>} : vector<2x1xi32>
    %eq3A = vector.broadcast %arg0 : i32 to vector<2x1xi32>
    %eq3A_4 = arith.cmpi eq, %iota3A, %eq3A : vector<2x1xi32>
    %convert_element_type3A = arith.extui %eq3A_4 : vector<2x1xi1> to vector<2x1xi32>
    %convert_element_type3A_5 = arith.sitofp %convert_element_type3A : vector<2x1xi32> to vector<2x1xf32>
    %dot_general3A = arith.constant dense<0.000000e+00> : vector<1000x1xf32>
    %dot_general3A_6 = tpu.matmul %rsqrt3A, %convert_element_type3A_5, %dot_general3A {dimension_numbers = #tpu.dot_dimension_numbers<[1], [0], [0], [1], [0, 0, 1, 1], [], []>, transpose_lhs_hint = false} : vector<1000x2xf32>, vector<2x1xf32>, vector<1000x1xf32> -> vector<1000x1xf32>
    %get3A_7 = arith.constant 0 : index
    %get3A_8 = arith.constant 0 : index
    %get3A_9 = arith.constant 0 : index
    %get3A_10 = vector.load %arg2[%get3A_7, %get3A_8, %get3A_9] : memref<1x1000x64xf32, #tpu.memory_space<vmem>>, vector<1x1000x64xf32>
    %get3A_11 = vector.shape_cast %get3A_10 : vector<1x1000x64xf32> to vector<1000x64xf32>
    %mul3A = vector.broadcast %dot_general3A_6 : vector<1000x1xf32> to vector<1000x64xf32>
    %mul3A_12 = arith.mulf %get3A_11, %mul3A : vector<1000x64xf32>
    %get3A_13 = arith.constant 0 : index
    %get3A_14 = arith.constant 0 : index
    %get3A_15 = arith.constant 0 : index
    %get3A_16 = vector.load %arg4[%get3A_13, %get3A_14, %get3A_15] : memref<1x1x64xf32, #tpu.memory_space<vmem>>, vector<1x1x64xf32>
    %get3A_17 = vector.shape_cast %get3A_16 : vector<1x1x64xf32> to vector<1x64xf32>
    %add3A = vector.broadcast %get3A_17 : vector<1x64xf32> to vector<1000x64xf32>
    %add3A_18 = arith.addf %mul3A_12, %add3A : vector<1000x64xf32>
    %swap3A = arith.constant 0 : index
    %swap3A_19 = arith.constant 0 : index
    %swap3A_20 = arith.constant 0 : index
    %swap3A_21 = vector.load %arg8[%swap3A, %swap3A_19, %swap3A_20] : memref<1x1000x64xf32, #tpu.memory_space<vmem>>, vector<1x1000x64xf32>
    %swap3A_22 = vector.shape_cast %swap3A_21 : vector<1x1000x64xf32> to vector<1000x64xf32>
    %swap3A_23 = vector.shape_cast %add3A_18 : vector<1000x64xf32> to vector<1x1000x64xf32>
    tpu.vector_store %arg8[%swap3A, %swap3A_19, %swap3A_20], %swap3A_23 {strides = array<i32>} : memref<1x1000x64xf32, #tpu.memory_space<vmem>>, vector<1x1000x64xf32>,
    %get3A_24 = arith.constant 0 : index
    %get3A_25 = arith.constant 0 : index
    %get3A_26 = vector.load %arg5[%get3A_24, %get3A_25] : memref<64x128xf32, #tpu.memory_space<vmem>>, vector<64x128xf32>
    %dot_general3A_27 = arith.constant dense<0.000000e+00> : vector<1000x128xf32>
    %dot_general3A_28 = tpu.matmul %add3A_18, %get3A_26, %dot_general3A_27 {dimension_numbers = #tpu.dot_dimension_numbers<[1], [0], [0], [1], [0, 0, 1, 1], [], []>, transpose_lhs_hint = false} : vector<1000x64xf32>, vector<64x128xf32>, vector<1000x128xf32> -> vector<1000x128xf32>
    %get3A_29 = arith.constant 0 : index
    %get3A_30 = arith.constant 0 : index
    %get3A_31 = vector.load %arg6[%get3A_29, %get3A_30] : memref<1x128xf32, #tpu.memory_space<vmem>>, vector<1x128xf32>
    %add3A_32 = vector.broadcast %get3A_31 : vector<1x128xf32> to vector<1000x128xf32>
    %add3A_33 = arith.addf %dot_general3A_28, %add3A_32 : vector<1000x128xf32>
    %tanh3A = math.tanh %add3A_33 : vector<1000x128xf32>
    %get3A_34 = arith.constant 0 : index
    %get3A_35 = arith.constant 0 : index
    %get3A_36 = vector.load %arg7[%get3A_34, %get3A_35] : memref<128x1xf32, #tpu.memory_space<vmem>>, vector<128x1xf32>
    %dot_general3A_37 = arith.constant dense<0.000000e+00> : vector<1000x1xf32>
    %dot_general3A_38 = tpu.matmul %tanh3A, %get3A_36, %dot_general3A_37 {dimension_numbers = #tpu.dot_dimension_numbers<[1], [0], [0], [1], [0, 0, 1, 1], [], []>, transpose_lhs_hint = false} : vector<1000x128xf32>, vector<128x1xf32>, vector<1000x1xf32> -> vector<1000x1xf32>
    %reduce_sum3A = vector.shape_cast %dot_general3A_38 : vector<1000x1xf32> to vector<1x1000x1xf32>
    %reduce_sum3A_39 = arith.constant dense<0.000000e+00> : vector<1xf32>
    %reduce_sum3A_40 = vector.multi_reduction <add>, %reduce_sum3A, %reduce_sum3A_39 [1, 2] : vector<1x1000x1xf32> to vector<1xf32>
    %reduce_sum3A_41 = vector.shape_cast %reduce_sum3A_40 : vector<1xf32> to vector<1x1x1xf32>
    %reduce_sum3A_42 = vector.extract %reduce_sum3A_41[0, 0, 0] : f32 from vector<1x1x1xf32>
    %eq3A_43 = arith.constant 0 : i32
    %eq3A_44 = arith.cmpi eq, %arg1, %eq3A_43 : i32
    %convert_element_type3A_45 = arith.extui %eq3A_44 : i1 to i32
    %cond3A = arith.constant 0 : i32
    %cond3A_46 = arith.cmpi ne, %convert_element_type3A_45, %cond3A : i32
    scf.if %cond3A_46 {
      %broadcast_in_dim3A = arith.constant 0.000000e+00 : f32
      %broadcast_in_dim3A_55 = vector.broadcast %broadcast_in_dim3A : f32 to vector<8x128xf32>
      %swap3A_56 = arith.constant 0 : index
      %swap3A_57 = arith.constant 0 : index
      %swap3A_58 = vector.load %arg9[%swap3A_56, %swap3A_57] : memref<8x128xf32, #tpu.memory_space<vmem>>, vector<8x128xf32>
      tpu.vector_store %arg9[%swap3A_56, %swap3A_57], %broadcast_in_dim3A_55 {strides = array<i32>} : memref<8x128xf32, #tpu.memory_space<vmem>>, vector<8x128xf32>,
    } else {
    }
    %get3A_47 = arith.constant 0 : index
    %get3A_48 = arith.constant 0 : index
    %get3A_49 = vector.load %arg9[%get3A_47, %get3A_48] : memref<8x128xf32, #tpu.memory_space<vmem>>, vector<8x128xf32>
    %add3A_50 = vector.broadcast %reduce_sum3A_42 : f32 to vector<8x128xf32>
    %add3A_51 = arith.addf %get3A_49, %add3A_50 : vector<8x128xf32>
    %swap3A_52 = arith.constant 0 : index
    %swap3A_53 = arith.constant 0 : index
    %swap3A_54 = vector.load %arg9[%swap3A_52, %swap3A_53] : memref<8x128xf32, #tpu.memory_space<vmem>>, vector<8x128xf32>
    tpu.vector_store %arg9[%swap3A_52, %swap3A_53], %add3A_51 {strides = array<i32>} : memref<8x128xf32, #tpu.memory_space<vmem>>, vector<8x128xf32>,
    return
  }
  func.func @transform_0(%arg0: i32, %arg1: i32) -> (i32, i32, i32) {
    %c0_i32 = arith.constant 0 : i32
    %c0_i32_0 = arith.constant 0 : i32
    return %arg0, %arg1, %c0_i32 : i32, i32, i32
  }
  func.func @transform_1(%arg0: i32, %arg1: i32) -> (i32, i32) {
    %c0_i32 = arith.constant 0 : i32
    %c0_i32_0 = arith.constant 0 : i32
    return %arg1, %c0_i32 : i32, i32
  }
  func.func @transform_2(%arg0: i32, %arg1: i32) -> (i32, i32, i32) {
    %c0_i32 = arith.constant 0 : i32
    %c0_i32_0 = arith.constant 0 : i32
    %c0_i32_1 = arith.constant 0 : i32
    return %arg0, %c0_i32, %c0_i32_0 : i32, i32, i32
  }
  func.func @transform_3(%arg0: i32, %arg1: i32) -> (i32, i32) {
    %c0_i32 = arith.constant 0 : i32
    %c0_i32_0 = arith.constant 0 : i32
    %c0_i32_1 = arith.constant 0 : i32
    return %c0_i32, %c0_i32_0 : i32, i32
  }
  func.func @transform_4(%arg0: i32, %arg1: i32) -> (i32, i32) {
    %c0_i32 = arith.constant 0 : i32
    %c0_i32_0 = arith.constant 0 : i32
    %c0_i32_1 = arith.constant 0 : i32
    return %c0_i32, %c0_i32_0 : i32, i32
  }
  func.func @transform_5(%arg0: i32, %arg1: i32) -> (i32, i32) {
    %c0_i32 = arith.constant 0 : i32
    %c0_i32_0 = arith.constant 0 : i32
    %c0_i32_1 = arith.constant 0 : i32
    return %c0_i32, %c0_i32_0 : i32, i32
  }
  func.func @transform_6(%arg0: i32, %arg1: i32) -> (i32, i32, i32) {
    %c0_i32 = arith.constant 0 : i32
    %c0_i32_0 = arith.constant 0 : i32
    return %arg0, %arg1, %c0_i32 : i32, i32, i32
  }
  func.func @transform_7(%arg0: i32, %arg1: i32) -> (i32, i32) {
    %c0_i32 = arith.constant 0 : i32
    %c0_i32_0 = arith.constant 0 : i32
    return %arg0, %c0_i32 : i32, i32
  }
}

module attributes {stable_mosaic.version = 14 : i64} {
  func.func @body(%arg0: i32, %arg1: memref<2x1000x64xf32, #tpu.memory_space<vmem>>, %arg2: memref<16x128xf32, #tpu.memory_space<vmem>>, %arg3: memref<1000x64xf32, #tpu.memory_space<vmem>>) attributes {dimension_semantics = [#tpu.dimension_semantics<arbitrary>], iteration_bounds = array<i64: 10>, scalar_prefetch = 0 : i64, scratch_operands = 0 : i64, tpu.core_type = #tpu.core_type<tc>, window_params = [{transform_indices = @transform_0, window_bounds = array<i64: 2, 1000, 64>}, {pipeline_mode = #tpu.pipeline_mode<synchronous>, transform_indices = @transform_1, window_bounds = array<i64: 16, 128>}, {transform_indices = @transform_2, window_bounds = array<i64: 1000, 64>}]} {
    %get3A = arith.constant 0 : index
    %get3A_0 = arith.constant 0 : index
    %get3A_1 = vector.load %arg2[%get3A, %get3A_0] : memref<16x128xf32, #tpu.memory_space<vmem>>, vector<1x1xf32>
    %get3A_2 = arith.constant 8 : index
    %get3A_3 = arith.constant 0 : index
    %get3A_4 = vector.load %arg2[%get3A_2, %get3A_3] : memref<16x128xf32, #tpu.memory_space<vmem>>, vector<1x1xf32>
    %max3A = arith.maximumf %get3A_1, %get3A_4 : vector<1x1xf32>
    %sub3A = arith.subf %get3A_1, %max3A : vector<1x1xf32>
    %mul3A = arith.constant 9.99999974E-5 : f32
    %mul3A_5 = vector.broadcast %mul3A : f32 to vector<1x1xf32>
    %mul3A_6 = arith.mulf %sub3A, %mul3A_5 : vector<1x1xf32>
    %exp3A = math.exp %mul3A_6 : vector<1x1xf32>
    %sub3A_7 = arith.subf %get3A_4, %max3A : vector<1x1xf32>
    %mul3A_8 = arith.constant 9.99999974E-5 : f32
    %mul3A_9 = vector.broadcast %mul3A_8 : f32 to vector<1x1xf32>
    %mul3A_10 = arith.mulf %sub3A_7, %mul3A_9 : vector<1x1xf32>
    %exp3A_11 = math.exp %mul3A_10 : vector<1x1xf32>
    %add3A = arith.addf %exp3A, %exp3A_11 : vector<1x1xf32>
    %get3A_12 = arith.constant 0 : index
    %get3A_13 = arith.constant 0 : index
    %get3A_14 = arith.constant 0 : index
    %get3A_15 = vector.load %arg1[%get3A_12, %get3A_13, %get3A_14] : memref<2x1000x64xf32, #tpu.memory_space<vmem>>, vector<1x1000x64xf32>
    %get3A_16 = vector.shape_cast %get3A_15 : vector<1x1000x64xf32> to vector<1000x64xf32>
    %div3A = arith.divf %exp3A, %add3A : vector<1x1xf32>
    %mul3A_17 = vector.broadcast %div3A : vector<1x1xf32> to vector<1000x64xf32>
    %mul3A_18 = arith.mulf %get3A_16, %mul3A_17 : vector<1000x64xf32>
    %get3A_19 = arith.constant 1 : index
    %get3A_20 = arith.constant 0 : index
    %get3A_21 = arith.constant 0 : index
    %get3A_22 = vector.load %arg1[%get3A_19, %get3A_20, %get3A_21] : memref<2x1000x64xf32, #tpu.memory_space<vmem>>, vector<1x1000x64xf32>
    %get3A_23 = vector.shape_cast %get3A_22 : vector<1x1000x64xf32> to vector<1000x64xf32>
    %div3A_24 = arith.divf %exp3A_11, %add3A : vector<1x1xf32>
    %mul3A_25 = vector.broadcast %div3A_24 : vector<1x1xf32> to vector<1000x64xf32>
    %mul3A_26 = arith.mulf %get3A_23, %mul3A_25 : vector<1000x64xf32>
    %add3A_27 = arith.addf %mul3A_18, %mul3A_26 : vector<1000x64xf32>
    %swap3A = arith.constant 0 : index
    %swap3A_28 = arith.constant 0 : index
    %swap3A_29 = vector.load %arg3[%swap3A, %swap3A_28] : memref<1000x64xf32, #tpu.memory_space<vmem>>, vector<1000x64xf32>
    tpu.vector_store %arg3[%swap3A, %swap3A_28], %add3A_27 {strides = array<i32>} : memref<1000x64xf32, #tpu.memory_space<vmem>>, vector<1000x64xf32>,
    return
  }
  func.func @transform_0(%arg0: i32) -> (i32, i32, i32) {
    %c0_i32 = arith.constant 0 : i32
    %c0_i32_0 = arith.constant 0 : i32
    %c0_i32_1 = arith.constant 0 : i32
    return %c0_i32, %arg0, %c0_i32_0 : i32, i32, i32
  }
  func.func @transform_1(%arg0: i32) -> (i32, i32) {
    %c0_i32 = arith.constant 0 : i32
    %c0_i32_0 = arith.constant 0 : i32
    %c0_i32_1 = arith.constant 0 : i32
    return %c0_i32, %c0_i32_0 : i32, i32
  }
  func.func @transform_2(%arg0: i32) -> (i32, i32) {
    %c0_i32 = arith.constant 0 : i32
    %c0_i32_0 = arith.constant 0 : i32
    return %arg0, %c0_i32 : i32, i32
  }
}

</mosaic_0001>

<sc_bundles>
// kernel: kernel.10.cloned.1.call-start
scs
__scs_entry_jumppad:
0x0: {  	(pc) =	sbr.rel $0x88, $3  }
0x1: {  	(tag) =	ssettag $0x0;
	lr =	simm.s32 $0x1  }
0x2: {  	[smem:$0x3F97] =	sst lr;
	_ =	strace $0xD0000000  }
0x3: {  	_ = 	snop  }
0x4: {  	_ = 	snop  }
0x5: {  	_ = 	snop  }
0x6: {  	_ = 	snop  }
0x7: {  	_ = 	snop  }
__scs_overlays_trampoline_lowered:
0x8: {  	[smem:$0x3FA6] =	sst s0  }
0x9: {  	[smem:$0x3FA7] =	sst s1  }
0xa: {  	[smem:$0x3FA8] =	sst s2  }
0xb: {  	[smem:$0x3FA9] =	sst s3  }
0xc: {  	[smem:$0x3FAA] =	sst s4  }
0xd: {  	[smem:$0x3FAB] =	sst s5  }
0xe: {  	[smem:$0x3FAC] =	sst s6  }
0xf: {  	[smem:$0x3FAD] =	sst s7  }
0x10: {  	[smem:$0x3FAE] =	sst s8  }
0x11: {  	[smem:$0x3FAF] =	sst s9;
	s0 =	simm.s32 @!p0 $0x0  }
0x12: {  	s1 =	sld [smem:$0x3F95];
	s0 =	simm.s32 @p0 $0x1  }
0x13: {  	[smem:$0x3FB0] =	sst s0;
	s0 =	simm.s32 @!p1 $0x0  }
0x14: {  	s2 =	sld [smem:$0x3F94];
	s0 =	simm.s32 @p1 $0x1  }
0x15: {  	[smem:$0x3FB1] =	sst s0;
	s0 =	simm.s32 @!p2 $0x0  }
0x16: {  	s3 =	sld [smem:$0x3FDB];
	s0 =	simm.s32 @p2 $0x1  }
0x17: {  	s4 =	simm.s32 $0x1BF5;
	[smem:$0x3FB3] =	sst s0  }
0x18: {  	s0 =	sld [smem:$0x3F96];
	_ =	swait.ge [sflag:s4], $0x0  }
0x19: {  	s7 =	sld [smem:$0x3F97]  }
0x1a: {  	s8 =	sadd.s32 $0xFFFFE003, lr  }
0x1b: {  	s9 =	sadd.s32 $0xFFFFFEF7, lr;
	s5 =	simm.s32 $0xFFFFFFFF;
	p2 =	slt.u32 s8, $0xFFFFF086  }
0x1c: {  	p1 =	slt.u32 s9, $0xF7A;
	s5 =	simm.s32 @!p2 $0x0  }
0x1d: {  	s5 =	simm.s32 @p1 $0x1;
	p0 =	seq.s32 s7, s2  }
0x1e: {  	s7 =	smul.u32 @!p0 $0xF7A, s2;
	p2 =	seq.s32 @!p0 s5, $0x0  }
0x1f: {  	s9 =	smul.u32 $0xF7A, s1;
	s8 =	simm.s32 @!p0 $0x1BF5;
	p2 =	por !p2, p0  }
0x20: {  	[sflag:s8] =	ssyncset.s32 @!p0 $0xFFFFF086;
	s6 =	sadd.s32 @!p0 s3, s7;
	s7 =	simm.s32 @!p0 $0x108  }
0x21: {  	s3 =	sadd.s32 s3, s9;
	s6 =	sadd.s32 @!p0 $0x88, s6;
	s7 =	simm.s32 @p2 $0x1082  }
0x22: {  	[simem:s7], [sflag:s8] =	dma.local @!p0 [hbm:s6], $0xF7A  }
0x23: {  	s9 =	sor.u32 $0xD0000000, s2;
	s6 =	simm.s32 $0x108;
	_ =	swait.ge @!p0 [sflag:s8], $0x0  }
0x24: {  	s3 =	sadd.s32 $0x88, s3;
	s6 =	simm.s32 @!p1 $0x1082;
	[sflag:s4] =	ssyncset.s32 $0xFFFFF086  }
0x25: {  	[simem:s6], [sflag:s4] =	dma.local [hbm:s3], $0xF7A  }
0x26: {  	[smem:$0x3F97] =	sst s1;
	(tag) =	ssettag s2;
	_ =	strace s9  }
0x27: {  	s1 =	sld [smem:$0x3FA7]  }
0x28: {  	s2 =	sld [smem:$0x3FA8]  }
0x29: {  	s4 =	sld [smem:$0x3FAA]  }
0x2a: {  	p0 =	seq.s32 s5, $0x0;
	s5 =	sld [smem:$0x3FAB]  }
0x2b: {  	s6 =	sld [smem:$0x3FAC]  }
0x2c: {  	s7 =	sld [smem:$0x3FAD]  }
0x2d: {  	s3 =	simm.s32 $0x108;
	s8 =	sld [smem:$0x3FAE]  }
0x2e: {  	s3 =	simm.s32 @!p0 $0x1082;
	s9 =	sld [smem:$0x3FAF]  }
0x2f: {  	lr =	sadd.s32 s0, s3;
	s0 =	sld [smem:$0x3FA6]  }
0x30: {  	s3 =	sld [smem:$0x3FA9]  }
0x31: {  	[smem:$0x3FB2] =	sst s10  }
0x32: {  	s10 =	sld [smem:$0x3FB0];
	_ =	sdelay $0x3  }
0x33: {  	p0 =	seq.s32 s10, $0x1;
	s10 =	sld [smem:$0x3FB2];
	_ =	sdelay $0x3  }
0x34: {  	[smem:$0x3FB2] =	sst s10  }
0x35: {  	s10 =	sld [smem:$0x3FB1];
	_ =	sdelay $0x3  }
0x36: {  	p1 =	seq.s32 s10, $0x1;
	s10 =	sld [smem:$0x3FB2];
	_ =	sdelay $0x3  }
0x37: {  	[smem:$0x3FB2] =	sst s10  }
0x38: {  	s10 =	sld [smem:$0x3FB3]  }
0x39: {  	_ = 	snop;
	(pc) =	sbr.ind lr, $3  }
0x3a: {  	_ = 	snop  }
0x3b: {  	_ = 	snop  }
0x3c: {  	p2 =	seq.s32 s10, $0x1;
	s10 =	sld [smem:$0x3FB2]  }
0x3d: {  	_ =	shalt  }
0x3e: {  	_ =	shalt  }
0x3f: {  	_ =	shalt  }
0x40: {  	_ =	shalt  }
0x41: {  	_ =	shalt  }
0x42: {  	_ =	shalt  }
0x43: {  	_ =	shalt  }
0x44: {  	_ =	shalt  }
0x45: {  	_ =	shalt  }
0x46: {  	_ =	shalt  }
0x47: {  	_ =	shalt  }
0x48: {  	_ =	shalt  }
0x49: {  	_ =	shalt  }
0x4a: {  	_ =	shalt  }
0x4b: {  	_ =	shalt  }
0x4c: {  	_ =	shalt  }
0x4d: {  	_ =	shalt  }
0x4e: {  	_ =	shalt  }
0x4f: {  	_ =	shalt  }
0x50: {  	_ =	shalt  }
0x51: {  	_ =	shalt  }
0x52: {  	_ =	shalt  }
0x53: {  	_ =	shalt  }
0x54: {  	_ =	shalt  }
0x55: {  	_ =	shalt  }
0x56: {  	_ =	shalt  }
0x57: {  	_ =	shalt  }
0x58: {  	_ =	shalt  }
0x59: {  	_ =	shalt  }
0x5a: {  	_ =	shalt  }
0x5b: {  	_ =	shalt  }
0x5c: {  	_ =	shalt  }
0x5d: {  	_ =	shalt  }
0x5e: {  	_ =	shalt  }
0x5f: {  	_ =	shalt  }
0x60: {  	_ =	shalt  }
0x61: {  	_ =	shalt  }
0x62: {  	_ =	shalt  }
0x63: {  	_ =	shalt  }
0x64: {  	_ =	shalt  }
0x65: {  	_ =	shalt  }
0x66: {  	_ =	shalt  }
0x67: {  	_ =	shalt  }
0x68: {  	_ =	shalt  }
0x69: {  	_ =	shalt  }
0x6a: {  	_ =	shalt  }
0x6b: {  	_ =	shalt  }
0x6c: {  	_ =	shalt  }
0x6d: {  	_ =	shalt  }
0x6e: {  	_ =	shalt  }
0x6f: {  	_ =	shalt  }
0x70: {  	_ =	shalt  }
0x71: {  	_ =	shalt  }
0x72: {  	_ =	shalt  }
0x73: {  	_ =	shalt  }
0x74: {  	_ =	shalt  }
0x75: {  	_ =	shalt  }
0x76: {  	_ =	shalt  }
0x77: {  	_ =	shalt  }
0x78: {  	_ =	shalt  }
0x79: {  	_ =	shalt  }
0x7a: {  	_ =	shalt  }
0x7b: {  	_ =	shalt  }
0x7c: {  	_ =	shalt  }
0x7d: {  	_ =	shalt  }
0x7e: {  	_ =	shalt  }
0x7f: {  	_ =	shalt  }
0x80: {  	_ =	shalt  }
0x81: {  	_ =	shalt  }
0x82: {  	_ =	shalt  }
0x83: {  	_ =	shalt  }
0x84: {  	_ =	shalt  }
0x85: {  	_ =	shalt  }
0x86: {  	_ =	shalt  }
0x87: {  	_ =	shalt  }
.Lfunc_end0:
.L_simem_size_0:
called_computation.1_lowered:
.L_overlay_start_0:
0x88: {  	s2 =	sld [smem:$0x3FD9]  }
0x89: {  	s3 =	sld [smem:$0x3FFE];
	_ =	sdelay $0x1  }
0x8a: {  	s1 =	srdreg.scid  }
0x8b: {  	s0 =	sand.u32 $0x1, s1  }
0x8c: {  	s16 =	sshll.u32 s0, $0xA;
	s2 =	sadd.s32 s3, s2  }
0x8d: {  	s2 =	sadd.s32 s2, s16  }
0x8e: {  	[smem:$0x3FBE] =	sst s2  }
0x8f: {  	_ = 	snop  }
0x90: {  	(tm) =	ssettm $0x1  }
0x91: {  	s17 =	sld [smem:$0x3FFB];
	_ =	sdelay $0x3  }
0x92: {  	_ =	strace s17  }
0x93: {  	s2 =	sld [smem:$0x3FFC];
	_ =	sdelay $0x3  }
0x94: {  	_ =	strace s2  }
0x95: {  	s2 =	sld [smem:$0x3FFD];
	_ =	sdelay $0x3  }
0x96: {  	_ =	strace s2  }
0x97: {  	_ =	strace $0x8FFFFFFF  }
0x98: {  	s18 =	sld [smem:$0x3FDB];
	_ =	sdelay $0x1  }
0x99: {  	s19 =	simm.s32 $_scs_section_size  }
0x9a: {  	s4 =	simm.s32 $_size__tile_overlayer_lowered;
	s5 =	simm.s32 $_tile_overlayer_lowered  }
0x9b: {  	s22 =	simm.s32 $0x1BFF;
	s21 =	sshll.u32 s5, $0x1;
	s2 =	sadd.s32 s19, s18  }
0x9c: {  	s6 =	simm.s32 $0x0;
	s20 =	sshll.u32 s4, $0x1;
	s4 =	sadd.s32 s21, s2  }
0x9d: {  	[timem:s6], [sflag:s22] =	dma.local [hbm:s4], s20  }
0x9e: {  	_ =	swait.ge [sflag:s22], s20  }
0x9f: {  	s3 =	ssub.s32 $0x0, s20;
	[sflag:s22] =	ssyncset.done $0x0  }
0xa0: {  	[sflag:s22] =	ssyncadd.s32 s3;
	_ =	sdelay $0x1  }
0xa1: {  	s23 =	simm.s32 $0x1B8B  }
0xa2: {  	_ =	swait.ge [sflag:s23], $0x1  }
0xa3: {  	[sflag:s23] =	ssyncset.done $0x0  }
0xa4: {  	s25 =	simm.s32 $0x1B8E;
	s24 =	sld [smem:$0x3FFE];
	[sflag:s23] =	ssyncadd.s32 $0xFFFFFFFF  }
0xa5: {  	s26 =	simm.s32 $execute0_lowered;
	[smem:$0x3FD2] =	sst s25  }
0xa6: {  	s4 =	sshll.u32 s26, $0x1;
	_ =	strace $0x80000049;
	[dreg:$0x1] =	wrdreg $0xFFFFFFFF  }
0xa7: {  	s28 =	simm.s32 $_size_execute0_lowered;
	s2 =	sadd.s32 s2, s4;
	[dreg:$0x0] =	wrdreg $0x0  }
0xa8: {  	s4 =	sshll.u32 s28, $0x1;
	[dreg:$0x2] =	wrdreg s2  }
0xa9: {  	[dreg:$0x3] =	wrdreg s4  }
0xaa: {  	[dreg:$0x4] =	wrdreg $0xC0  }
0xab: {  	_ =	task [dreg:s6], $0x5FFFF  }
0xac: {  	[dreg:$0x1] =	wrdreg $0xFFFFFFFF  }
0xad: {  	[dreg:$0x0] =	wrdreg $0x60  }
0xae: {  	[dreg:$0x2] =	wrdreg s24  }
0xaf: {  	[dreg:$0x3] =	wrdreg $0xCE400  }
0xb0: {  	[dreg:$0x4] =	wrdreg $0x9  }
0xb1: {  	_ =	task.clear_ibuf [dreg:s6], $0x5FFFF;
	_ =	strace $0x90000049  }
0xb2: {  	s29 =	simm.s32 $0x9;
	_ =	strace $0x8000004B  }
0xb3: {  	_ =	swait.ge [sflag:s29], $0x1  }
0xb4: {  	[sflag:s29] =	ssyncadd.s32 $0xFFFFFFFF  }
0xb5: {  	_ =	strace $0x9000004B  }
0xb6: {  	_ =	sfence  }
0xb7: {  	s30 =	sld [smem:$0x0];
	_ =	sdelay $0x2  }
0xb8: {  	s31 =	sshll.u32 s1, $0xD;
	s1 =	sshrl.u32 s1, $0x2  }
0xb9: {  	s3 =	sand.u32 $0x4000, s31;
	s1 =	sadd.s32 s1, s30  }
0xba: {  	s0 =	sor.u32 s3, s0;
	s1 =	sshll.u32 s1, $0x11  }
0xbb: {  	s0 =	sor.u32 s1, s0  }
0xbc: {  	s0 =	sadd.s32 $0x8F2B, s0  }
0xbd: {  	[sflag:s0] =	ssyncadd.remote.s32 $0x1  }
0xbe: {  	_ =	sfence.sel $0xFFFF  }
0xbf: {  	[dreg:$0x0] =	wrdreg $0xFFFFFFFF;
	(pc) =	sbr.abs _section_cstart, $3  }
0xc0: {  	[dreg:$0x1] =	wrdreg $0xFFFFFFFF  }
0xc1: {  	_ =	task.clear_ibuf [dreg:s6], $0x2FFFF;
	_ =	strace $0x9FFFFFFF  }
0xc2: {  	(tm) =	ssettm $0x7FFFFFFF  }
0xc3: {  	_ =	shalt  }
tec
execute0_lowered:
.L_overlay_start_1:
0x0: {  	(tag) =	ssettag $0x1  }
0x1: {  	s0 =	srdreg.scid;
	s2 =	rddreg [dreg:$0x0]  }
0x2: {  	s1 =	rddreg [dreg:$0x1];
	s3 =	simm.s32 $0x0;
	s21 =	stileid.u32  }
0x3: {  	s28 =	simm.s32 $0x3;
	s29 =	simm.s32 $0x2;
	s6 =	smul.u32 $0x19000, s21  }
0x4: {  	s30 =	simm.s32 $0x6A40;
	s31 =	simm.s32 $0x5;
	s8 =	smul.u32 $0x4E20, s21  }
0x5: {  	s0 =	sand.u32 $0x1, s0;
	[smem:$0x7FF] =	sst s3;
	s12 =	smul.u32 $0x6400, s21  }
0x6: {  	s10 =	sor.u32 $0x10, s21;
	p0 =	sgt.u32 s21, $0x8;
	s5 =	smul.u32 $0x9C400, s0  }
0x7: {  	s21 =	simm.s32 $0x640;
	s0 =	ssub.s32 $0x2, s0;
	s11 =	smul.u32 $0x19000, s10  }
0x8: {  	_ =	strace $0x8000004A;
	s16 =	smul.u32 $0x6400, s10;
	s9 =	sshrl.u32 s0, $0x1  }
0x9: {  	s6 =	sshrl.u32 s6, $0x2;
	s4 =	sshrl.u32 s5, $0x3;
	s8 =	sadd.s32 s8, s5  }
0xa: {  	s0 =	ssub.s32 s0, s9;
	s6 =	sadd.s32 s6, s1;
	s14 =	sshrl.u32 s11, $0x2  }
0xb: {  	s7 =	sadd.s32 s4, s2;
	s4 =	sadd.s32 $0x2600, s2;
	s2 =	sadd.s32 $0x50A00, s2  }
0xc: {  	[dreg:$0x3] =	wrdreg s6;
	s13 =	sshrl.u32 s8, $0x3;
	s9 =	sadd.s32 s14, s1  }
0xd: {  	s14 =	sadd.s32 s16, s1;
	s20 =	sadd.s32 $0x4B0, s8;
	s23 =	sadd.s32 $0x4E6B0, s8  }
0xe: {  	s25 =	sadd.s32 $0x4E520, s8;
	s6 =	sadd.s32 s4, s13;
	[dreg:$0x4] =	wrdreg s9  }
0xf: {  	s13 =	sadd.s32 s12, s5;
	s11 =	sadd.s32 $0x29800, s7;
	s5 =	sadd.s32 s5, s16  }
0x10: {  	s12 =	sadd.s32 s12, s1;
	s16 =	smax.u32 s0, $0x1;
	s22 =	sshrl.u32 s20, $0x3  }
0x11: {  	s24 =	sshrl.u32 s23, $0x3;
	s26 =	sshrl.u32 s25, $0x3;
	s23 =	simm.s32 $0x190  }
0x12: {  	s25 =	simm.s32 $0x4B0;
	s0 =	simm.s32 $0x4;
	s15 =	sadd.s32 $0x9C40, s6  }
0x13: {  	s17 =	sadd.s32 $0x32, s6;
	s18 =	sadd.s32 $0x9C72, s6;
	[dreg:$0x5] =	wrdreg s15  }
0x14: {  	s19 =	sshrl.u32 s13, $0x3;
	s5 =	sshrl.u32 s5, $0x3;
	[dreg:$0x6] =	wrdreg s17  }
0x15: {  	s20 =	sadd.s32 s26, s4;
	s26 =	simm.s32 $0x1;
	[dreg:$0x7] =	wrdreg s18  }
0x16: {  	s13 =	sadd.s32 s2, s19;
	s15 =	sadd.s32 s2, s5;
	s17 =	sadd.s32 s22, s4  }
0x17: {  	s18 =	sadd.s32 s24, s4;
	s19 =	sadd.s32 $0x320, s8;
	s22 =	simm.s32 $0x7  }
0x18: {  	v0 =	vimm.f32 $0.0e+00;
	s24 =	simm.s32 $0x320;
	s2 =	simm.s32 $0x6;
	s5 =	simm.s32 $0x0  }
.LBB2_1:
0x19: {  	s7 =	sand.u32 $0x1FF00, s3  }
0x1a: {  	s8 =	sand.u32 $0x30, s3;
	s9 =	sshrl.u32 s7, $0x2  }
0x1b: {  	s7 =	simm.s32 $0x40;
	s9 =	sor.u32 s8, s9;
	s8 =	simm.s32 $0x0  }
.LBB2_2:
0x1c: {  	p1 =	sne.s32 s7, $0x18FC0  }
0x1d: {  	[tilespmem:s9+$0x640] =	vst v0;
	s8 =	sadd.s32 $0x10, s8;
	s9 =	smov.u32 s7;
	s7 =	sadd.s32 $0x40, s7  }
.Ltmp0:
0x1e: {  	(pc) =	sbr.rel @p1 .LBB2_2-.Ltmp0, $4  }
0x1f: {  	_ = 	snop  }
0x20: {  	s9 =	sand.u32 $0x1FF00, s9  }
0x21: {  	s10 =	sand.u32 $0x30, s8;
	s9 =	sshrl.u32 s9, $0x2  }
0x22: {  	s9 =	sor.u32 s10, s9  }
0x23: {  	[tilespmem:s9+$0x640] =	vst v0;
	s7 =	rddreg [dreg:$0x3]  }
0x24: {  	[spmem:s7] =	stream.linear.scatter [tilespmem:s21], [sflag:$0x7], $0x6400, $0x38;
	[tilespmem:$0x16A80] =	vst v63  }
0x25: {  	_ =	swait.ge [sflag:s22], $0x6400  }
0x26: {  	[sflag:s22] =	ssyncset.done $0x0  }
0x27: {  	s7 =	simm.s32 @!p0 $0x640;
	s8 =	rddreg [dreg:$0x4];
	[sflag:s22] =	ssyncadd.s32 $0xFFFF9C00  }
0x28: {  	[spmem:s8] =	stream.linear.scatter @!p0 [tilespmem:s7], [sflag:$0x7], $0x6400, $0x38;
	[tilespmem:$0x16A80] =	vst v63  }
0x29: {  	s7 =	simm.s32 @!p0 $0x7  }
0x2a: {  	_ =	swait.ge @!p0 [sflag:s7], $0x6400  }
0x2b: {  	[sflag:s7] =	ssyncset.done @!p0 $0x0  }
0x2c: {  	[sflag:s7] =	ssyncadd.s32 @!p0 $0xFFFF9C00  }
0x2d: {  	s7 =	simm.s32 $0x0;
	[bflag:$0x0] =	sbarrier.arrive $0xFFFF  }
0x2e: {  	[tilespmem:s7], [sflag:$0x1] =	stream.linear.gather [hbm4b:s6+s7], $0x190, $0x38;
	[tilespmem:$0x16A80] =	vst v63  }
0x2f: {  	s10 =	rddreg [dreg:$0x5]  }
0x30: {  	[tilespmem:s23], [sflag:$0x1] =	stream.linear.gather [hbm4b:s10+s7], $0x190, $0x38;
	[tilespmem:$0x16A80] =	vst v63  }
0x31: {  	s9 =	rddreg [dreg:$0x6]  }
0x32: {  	[tilespmem:s24], [sflag:$0x2] =	stream.linear.gather [hbm4b:s9+s7], $0x190, $0x38;
	[tilespmem:$0x16A80] =	vst v63  }
0x33: {  	s10 =	rddreg [dreg:$0x7]  }
0x34: {  	[tilespmem:s25], [sflag:$0x2] =	stream.linear.gather [hbm4b:s10+s7], $0x190, $0x38;
	[tilespmem:$0x16A80] =	vst v63  }
0x35: {  	_ =	swait.ge [sflag:s26], $0x190  }
0x36: {  	[sflag:s26] =	ssyncset.done $0x0  }
0x37: {  	[sflag:s26] =	ssyncadd.s32 $0xFFFFFE70  }
0x38: {  	_ =	swait.ge [sflag:s26], $0x190  }
0x39: {  	[sflag:s26] =	ssyncset.done $0x0  }
0x3a: {  	[sflag:s26] =	ssyncadd.s32 $0xFFFFFE70  }
0x3b: {  	[tilespmem:s21], [sflag:$0x3] =	stream.indirect.gather [hbm4b:s11+s23], $0x40, s7, s23, $0xb8;
	[tilespmem:$0x16A80] =	vst v63  }
0x3c: {  	_ =	swait.ge [sflag:s28], $0x6400  }
0x3d: {  	[sflag:s28] =	ssyncset.done $0x0  }
0x3e: {  	[sflag:s28] =	ssyncadd.s32 $0xFFFF9C00  }
0x3f: {  	_ =	swait.ge [sflag:s29], $0x190  }
0x40: {  	[sflag:s29] =	ssyncset.done $0x0  }
0x41: {  	[sflag:s29] =	ssyncadd.s32 $0xFFFFFE70  }
0x42: {  	_ =	swait.ge [sflag:s29], $0x190  }
0x43: {  	[sflag:s29] =	ssyncset.done $0x0  }
0x44: {  	[sflag:s29] =	ssyncadd.s32 $0xFFFFFE70  }
0x45: {  	[tilespmem:s30], [sflag:$0x4] =	stream.indirect.gather [hbm4b:s11+s23], $0x40, s24, s23, $0xb8;
	[tilespmem:$0x16A80] =	vst v63  }
0x46: {  	_ = 	snop  }
0x47: {  	[spmem:s1] =	stream.indirect.scatter.add.f32 [tilespmem:s21], [sflag:$0x5], $0x40, s23, s23, $0xb8;
	[tilespmem:$0x16A80] =	vst v63  }
0x48: {  	_ =	swait.ge [sflag:s31], $0x6400  }
0x49: {  	s8 =	sshrl.u32 s19, $0x3;
	[sflag:s31] =	ssyncset.done $0x0  }
0x4a: {  	s7 =	sadd.s32 s4, s8;
	[sflag:s31] =	ssyncadd.s32 $0xFFFF9C00  }
0x4b: {  	[tilespmem:s3], [sflag:$0x1] =	stream.linear.gather [hbm4b:s7+s3], $0x190, $0x38;
	[tilespmem:$0x16A80] =	vst v63  }
0x4c: {  	s9 =	sadd.s32 $0x0, s20  }
0x4d: {  	[tilespmem:s23], [sflag:$0x1] =	stream.linear.gather [hbm4b:s9+s3], $0x190, $0x38;
	[tilespmem:$0x16A80] =	vst v63  }
0x4e: {  	_ =	swait.ge [sflag:s0], $0x6400  }
0x4f: {  	[sflag:s0] =	ssyncset.done $0x0  }
0x50: {  	[sflag:s0] =	ssyncadd.s32 $0xFFFF9C00  }
0x51: {  	_ =	swait.ge [sflag:s26], $0x190  }
0x52: {  	[sflag:s26] =	ssyncset.done $0x0  }
0x53: {  	[sflag:s26] =	ssyncadd.s32 $0xFFFFFE70  }
0x54: {  	_ =	swait.ge [sflag:s26], $0x190  }
0x55: {  	[sflag:s26] =	ssyncset.done $0x0  }
0x56: {  	[sflag:s26] =	ssyncadd.s32 $0xFFFFFE70  }
0x57: {  	[tilespmem:s21], [sflag:$0x3] =	stream.indirect.gather [hbm4b:s11+s23], $0x40, s3, s23, $0xb8;
	[tilespmem:$0x16A80] =	vst v63  }
0x58: {  	_ = 	snop  }
0x59: {  	[spmem:s1] =	stream.indirect.scatter.add.f32 [tilespmem:s30], [sflag:$0x6], $0x40, s25, s23, $0xb8;
	[tilespmem:$0x16A80] =	vst v63  }
0x5a: {  	_ =	swait.ge [sflag:s2], $0x6400  }
0x5b: {  	s10 =	sadd.s32 $0x0, s17;
	s8 =	sadd.s32 $0x320, s19;
	[sflag:s2] =	ssyncset.done $0x0  }
0x5c: {  	s7 =	simm.s32 $0x64;
	s9 =	sadd.s32 $0x0, s18;
	[sflag:s2] =	ssyncadd.s32 $0xFFFF9C00  }
0x5d: {  	[tilespmem:s24], [sflag:$0x2] =	stream.linear.gather [hbm4b:s10+s3], $0x190, $0x38;
	[tilespmem:$0x16A80] =	vst v63  }
.LBB2_4:
0x5e: {  	[tilespmem:s25], [sflag:$0x2] =	stream.linear.gather [hbm4b:s9+s3], $0x190, $0x38;
	[tilespmem:$0x16A80] =	vst v63  }
0x5f: {  	s9 =	smov.u32 s7  }
0x60: {  	p1 =	sne.s32 s7, $0x8FC;
	s7 =	sadd.s32 $0x64, s7;
	_ =	swait.ge [sflag:s28], $0x6400  }
0x61: {  	[sflag:s28] =	ssyncset.done $0x0  }
0x62: {  	[sflag:s28] =	ssyncadd.s32 $0xFFFF9C00  }
0x63: {  	_ =	swait.ge [sflag:s29], $0x190  }
0x64: {  	[sflag:s29] =	ssyncset.done $0x0  }
0x65: {  	[sflag:s29] =	ssyncadd.s32 $0xFFFFFE70  }
0x66: {  	_ =	swait.ge [sflag:s29], $0x190  }
0x67: {  	[sflag:s29] =	ssyncset.done $0x0  }
0x68: {  	[sflag:s29] =	ssyncadd.s32 $0xFFFFFE70  }
0x69: {  	[tilespmem:s30], [sflag:$0x4] =	stream.indirect.gather [hbm4b:s11+s23], $0x40, s24, s23, $0xb8;
	[tilespmem:$0x16A80] =	vst v63  }
0x6a: {  	_ = 	snop  }
0x6b: {  	[spmem:s1] =	stream.indirect.scatter.add.f32 [tilespmem:s21], [sflag:$0x5], $0x40, s23, s23, $0xb8;
	[tilespmem:$0x16A80] =	vst v63  }
0x6c: {  	_ =	swait.ge [sflag:s31], $0x6400  }
0x6d: {  	s10 =	sshrl.u32 s8, $0x3;
	[sflag:s31] =	ssyncset.done $0x0  }
0x6e: {  	s10 =	sadd.s32 s4, s10;
	[sflag:s31] =	ssyncadd.s32 $0xFFFF9C00  }
0x6f: {  	[tilespmem:s3], [sflag:$0x1] =	stream.linear.gather [hbm4b:s10+s3], $0x190, $0x38;
	[tilespmem:$0x16A80] =	vst v63  }
0x70: {  	s10 =	sadd.s32 s9, s20  }
0x71: {  	[tilespmem:s23], [sflag:$0x1] =	stream.linear.gather [hbm4b:s10+s3], $0x190, $0x38;
	[tilespmem:$0x16A80] =	vst v63  }
0x72: {  	_ =	swait.ge [sflag:s0], $0x6400  }
0x73: {  	[sflag:s0] =	ssyncset.done $0x0  }
0x74: {  	[sflag:s0] =	ssyncadd.s32 $0xFFFF9C00  }
0x75: {  	_ =	swait.ge [sflag:s26], $0x190  }
0x76: {  	[sflag:s26] =	ssyncset.done $0x0  }
0x77: {  	[sflag:s26] =	ssyncadd.s32 $0xFFFFFE70  }
0x78: {  	_ =	swait.ge [sflag:s26], $0x190  }
0x79: {  	[sflag:s26] =	ssyncset.done $0x0  }
0x7a: {  	[sflag:s26] =	ssyncadd.s32 $0xFFFFFE70  }
0x7b: {  	[tilespmem:s21], [sflag:$0x3] =	stream.indirect.gather [hbm4b:s11+s23], $0x40, s3, s23, $0xb8;
	[tilespmem:$0x16A80] =	vst v63  }
0x7c: {  	_ = 	snop  }
0x7d: {  	[spmem:s1] =	stream.indirect.scatter.add.f32 [tilespmem:s30], [sflag:$0x6], $0x40, s25, s23, $0xb8;
	[tilespmem:$0x16A80] =	vst v63  }
.Ltmp1:
0x7e: {  	_ =	swait.ge [sflag:s2], $0x6400;
	(pc) =	sbr.rel @p1 .LBB2_4-.Ltmp1, $4  }
0x7f: {  	[sflag:s2] =	ssyncset.done $0x0  }
0x80: {  	s10 =	sadd.s32 s9, s17;
	[sflag:s2] =	ssyncadd.s32 $0xFFFF9C00  }
0x81: {  	[tilespmem:s24], [sflag:$0x2] =	stream.linear.gather [hbm4b:s10+s3], $0x190, $0x38;
	[tilespmem:$0x16A80] =	vst v63  }
0x82: {  	s8 =	sadd.s32 $0x320, s8;
	s9 =	sadd.s32 s9, s18  }
0x83: {  	[tilespmem:s25], [sflag:$0x2] =	stream.linear.gather [hbm4b:s9+s3], $0x190, $0x38;
	[tilespmem:$0x16A80] =	vst v63  }
0x84: {  	_ =	swait.ge [sflag:s28], $0x6400  }
0x85: {  	[sflag:s28] =	ssyncset.done $0x0  }
0x86: {  	[sflag:s28] =	ssyncadd.s32 $0xFFFF9C00  }
0x87: {  	_ =	swait.ge [sflag:s29], $0x190  }
0x88: {  	[sflag:s29] =	ssyncset.done $0x0  }
0x89: {  	[sflag:s29] =	ssyncadd.s32 $0xFFFFFE70  }
0x8a: {  	_ =	swait.ge [sflag:s29], $0x190  }
0x8b: {  	[sflag:s29] =	ssyncset.done $0x0  }
0x8c: {  	[sflag:s29] =	ssyncadd.s32 $0xFFFFFE70  }
0x8d: {  	[tilespmem:s30], [sflag:$0x4] =	stream.indirect.gather [hbm4b:s11+s23], $0x40, s24, s23, $0xb8;
	[tilespmem:$0x16A80] =	vst v63  }
0x8e: {  	_ = 	snop  }
0x8f: {  	[spmem:s1] =	stream.indirect.scatter.add.f32 [tilespmem:s21], [sflag:$0x5], $0x40, s23, s23, $0xb8;
	[tilespmem:$0x16A80] =	vst v63  }
0x90: {  	_ =	swait.ge [sflag:s31], $0x6400  }
0x91: {  	[sflag:s31] =	ssyncset.done $0x0  }
0x92: {  	[sflag:s31] =	ssyncadd.s32 $0xFFFF9C00  }
0x93: {  	_ =	swait.ge [sflag:s0], $0x6400  }
0x94: {  	[sflag:s0] =	ssyncset.done $0x0  }
0x95: {  	[sflag:s0] =	ssyncadd.s32 $0xFFFF9C00  }
0x96: {  	[spmem:s1] =	stream.indirect.scatter.add.f32 [tilespmem:s30], [sflag:$0x6], $0x40, s25, s23, $0xb8;
	[tilespmem:$0x16A80] =	vst v63  }
0x97: {  	_ =	swait.ge [sflag:s2], $0x6400  }
0x98: {  	[sflag:s2] =	ssyncset.done $0x0  }
0x99: {  	[sflag:s2] =	ssyncadd.s32 $0xFFFF9C00  }
0x9a: {  	[bflag:$0x0] =	sbarrier.arrive $0xFFFF  }
0x9b: {  	[tilespmem:s21], [sflag:$0x7] =	stream.linear.gather [spmem:s12], $0x6400, $0x38;
	[tilespmem:$0x16A80] =	vst v63  }
0x9c: {  	_ =	swait.ge [sflag:s22], $0x6400  }
0x9d: {  	[sflag:s22] =	ssyncset.done $0x0  }
0x9e: {  	[sflag:s22] =	ssyncadd.s32 $0xFFFF9C00  }
0x9f: {  	[hbm4b:s13+s3] =	stream.linear.scatter [tilespmem:s21], [sflag:$0x7], $0x6400, $0x38;
	[tilespmem:$0x16A80] =	vst v63  }
0xa0: {  	_ =	swait.ge [sflag:s22], $0x6400  }
0xa1: {  	[sflag:s22] =	ssyncset.done $0x0  }
0xa2: {  	s7 =	simm.s32 @!p0 $0x640;
	s8 =	simm.s32 @!p0 $0x7;
	[sflag:s22] =	ssyncadd.s32 $0xFFFF9C00  }
0xa3: {  	[tilespmem:s7], [sflag:$0x7] =	stream.linear.gather @!p0 [spmem:s14], $0x6400, $0x38;
	[tilespmem:$0x16A80] =	vst v63  }
0xa4: {  	s5 =	sadd.s32 $0x1, s5;
	_ =	swait.ge @!p0 [sflag:s8], $0x6400  }
0xa5: {  	p1 =	sne.s32 s5, s16;
	[sflag:s8] =	ssyncset.done @!p0 $0x0  }
.Ltmp2:
0xa6: {  	s9 =	simm.s32 @!p0 $0x0;
	[sflag:s8] =	ssyncadd.s32 @!p0 $0xFFFF9C00;
	(pc) =	sbr.rel @p1 .LBB2_1-.Ltmp2, $4  }
0xa7: {  	[hbm4b:s15+s9] =	stream.linear.scatter @!p0 [tilespmem:s7], [sflag:$0x7], $0x6400, $0x38;
	[tilespmem:$0x16A80] =	vst v63  }
0xa8: {  	_ =	swait.ge @!p0 [sflag:s8], $0x6400  }
0xa9: {  	[sflag:s8] =	ssyncset.done @!p0 $0x0  }
0xaa: {  	[sflag:s8] =	ssyncadd.s32 @!p0 $0xFFFF9C00  }
0xab: {  	_ =	sfence.sel $0x180000  }
0xac: {  	[bflag:$0x0] =	sbarrier.arrive $0xFFFF  }
0xad: {  	_ =	strace $0x9000004A  }
0xae: {  	s0 =	stileid.u32;
	[bflag:$0x2] =	sbarrier.arrive $0xFFFF  }
0xaf: {  	p0 =	sne.s32 s0, $0x0;
	s0 =	rddreg [dreg:$0x2]  }
0xb0: {  	s0 =	sadd.s32 @!p0 $0x100000, s0  }
0xb1: {  	[sflag:s0] =	ssyncadd.tile.s32 @!p0 $0x1;
	_ =	shalt  }
.Lfunc_end2:
_tile_overlayer_lowered:
.L_overlay_start_2:
0xb2: {  	(tag) =	ssettag $0x2  }
0xb3: {  	s0 =	rddreg [dreg:$0x0];
	s2 =	stileid.u32  }
0xb4: {  	s1 =	rddreg [dreg:$0x1];
	p0 =	sne.s32 s2, $0x0  }
0xb5: {  	s3 =	rddreg [dreg:$0x2];
	[bflag:$0x3] =	sbarrier.arrive $0xFFFF;
	s2 =	simm.s32 @!p0 $0x1C07  }
0xb6: {  	[timem:s3], [sflag:s2] =	dma.local @!p0 [hbm:s0], s1  }
0xb7: {  	s0 =	simm.s32 @!p0 $0x7  }
0xb8: {  	_ =	swait.ge @!p0 [sflag:s0], s1  }
0xb9: {  	s1 =	ssub.s32 @!p0 $0x0, s1;
	[sflag:s0] =	ssyncset.done @!p0 $0x0  }
0xba: {  	[sflag:s0] =	ssyncadd.s32 @!p0 s1  }
0xbb: {  	[bflag:$0x3] =	sbarrier.arrive $0xFFFF  }
0xbc: {  	_ =	shalt  }

// kernel: kernel.7.cloned.1.call-start
scs
__scs_entry_jumppad:
0x0: {  	(pc) =	sbr.rel $0x88, $3  }
0x1: {  	(tag) =	ssettag $0x0;
	lr =	simm.s32 $0x1  }
0x2: {  	[smem:$0x3F97] =	sst lr;
	_ =	strace $0xD0000000  }
0x3: {  	_ = 	snop  }
0x4: {  	_ = 	snop  }
0x5: {  	_ = 	snop  }
0x6: {  	_ = 	snop  }
0x7: {  	_ = 	snop  }
__scs_overlays_trampoline_lowered:
0x8: {  	[smem:$0x3FA6] =	sst s0  }
0x9: {  	[smem:$0x3FA7] =	sst s1  }
0xa: {  	[smem:$0x3FA8] =	sst s2  }
0xb: {  	[smem:$0x3FA9] =	sst s3  }
0xc: {  	[smem:$0x3FAA] =	sst s4  }
0xd: {  	[smem:$0x3FAB] =	sst s5  }
0xe: {  	[smem:$0x3FAC] =	sst s6  }
0xf: {  	[smem:$0x3FAD] =	sst s7  }
0x10: {  	[smem:$0x3FAE] =	sst s8  }
0x11: {  	[smem:$0x3FAF] =	sst s9;
	s0 =	simm.s32 @!p0 $0x0  }
0x12: {  	s1 =	sld [smem:$0x3F95];
	s0 =	simm.s32 @p0 $0x1  }
0x13: {  	[smem:$0x3FB0] =	sst s0;
	s0 =	simm.s32 @!p1 $0x0  }
0x14: {  	s2 =	sld [smem:$0x3F94];
	s0 =	simm.s32 @p1 $0x1  }
0x15: {  	[smem:$0x3FB1] =	sst s0;
	s0 =	simm.s32 @!p2 $0x0  }
0x16: {  	s3 =	sld [smem:$0x3FDB];
	s0 =	simm.s32 @p2 $0x1  }
0x17: {  	s4 =	simm.s32 $0x1BF5;
	[smem:$0x3FB3] =	sst s0  }
0x18: {  	s0 =	sld [smem:$0x3F96];
	_ =	swait.ge [sflag:s4], $0x0  }
0x19: {  	s7 =	sld [smem:$0x3F97]  }
0x1a: {  	s8 =	sadd.s32 $0xFFFFE003, lr  }
0x1b: {  	s9 =	sadd.s32 $0xFFFFFEF7, lr;
	s5 =	simm.s32 $0xFFFFFFFF;
	p2 =	slt.u32 s8, $0xFFFFF086  }
0x1c: {  	p1 =	slt.u32 s9, $0xF7A;
	s5 =	simm.s32 @!p2 $0x0  }
0x1d: {  	s5 =	simm.s32 @p1 $0x1;
	p0 =	seq.s32 s7, s2  }
0x1e: {  	s7 =	smul.u32 @!p0 $0xF7A, s2;
	p2 =	seq.s32 @!p0 s5, $0x0  }
0x1f: {  	s9 =	smul.u32 $0xF7A, s1;
	s8 =	simm.s32 @!p0 $0x1BF5;
	p2 =	por !p2, p0  }
0x20: {  	[sflag:s8] =	ssyncset.s32 @!p0 $0xFFFFF086;
	s6 =	sadd.s32 @!p0 s3, s7;
	s7 =	simm.s32 @!p0 $0x108  }
0x21: {  	s3 =	sadd.s32 s3, s9;
	s6 =	sadd.s32 @!p0 $0x88, s6;
	s7 =	simm.s32 @p2 $0x1082  }
0x22: {  	[simem:s7], [sflag:s8] =	dma.local @!p0 [hbm:s6], $0xF7A  }
0x23: {  	s9 =	sor.u32 $0xD0000000, s2;
	s6 =	simm.s32 $0x108;
	_ =	swait.ge @!p0 [sflag:s8], $0x0  }
0x24: {  	s3 =	sadd.s32 $0x88, s3;
	s6 =	simm.s32 @!p1 $0x1082;
	[sflag:s4] =	ssyncset.s32 $0xFFFFF086  }
0x25: {  	[simem:s6], [sflag:s4] =	dma.local [hbm:s3], $0xF7A  }
0x26: {  	[smem:$0x3F97] =	sst s1;
	(tag) =	ssettag s2;
	_ =	strace s9  }
0x27: {  	s1 =	sld [smem:$0x3FA7]  }
0x28: {  	s2 =	sld [smem:$0x3FA8]  }
0x29: {  	s4 =	sld [smem:$0x3FAA]  }
0x2a: {  	p0 =	seq.s32 s5, $0x0;
	s5 =	sld [smem:$0x3FAB]  }
0x2b: {  	s6 =	sld [smem:$0x3FAC]  }
0x2c: {  	s7 =	sld [smem:$0x3FAD]  }
0x2d: {  	s3 =	simm.s32 $0x108;
	s8 =	sld [smem:$0x3FAE]  }
0x2e: {  	s3 =	simm.s32 @!p0 $0x1082;
	s9 =	sld [smem:$0x3FAF]  }
0x2f: {  	lr =	sadd.s32 s0, s3;
	s0 =	sld [smem:$0x3FA6]  }
0x30: {  	s3 =	sld [smem:$0x3FA9]  }
0x31: {  	[smem:$0x3FB2] =	sst s10  }
0x32: {  	s10 =	sld [smem:$0x3FB0];
	_ =	sdelay $0x3  }
0x33: {  	p0 =	seq.s32 s10, $0x1;
	s10 =	sld [smem:$0x3FB2];
	_ =	sdelay $0x3  }
0x34: {  	[smem:$0x3FB2] =	sst s10  }
0x35: {  	s10 =	sld [smem:$0x3FB1];
	_ =	sdelay $0x3  }
0x36: {  	p1 =	seq.s32 s10, $0x1;
	s10 =	sld [smem:$0x3FB2];
	_ =	sdelay $0x3  }
0x37: {  	[smem:$0x3FB2] =	sst s10  }
0x38: {  	s10 =	sld [smem:$0x3FB3]  }
0x39: {  	_ = 	snop;
	(pc) =	sbr.ind lr, $3  }
0x3a: {  	_ = 	snop  }
0x3b: {  	_ = 	snop  }
0x3c: {  	p2 =	seq.s32 s10, $0x1;
	s10 =	sld [smem:$0x3FB2]  }
0x3d: {  	_ =	shalt  }
0x3e: {  	_ =	shalt  }
0x3f: {  	_ =	shalt  }
0x40: {  	_ =	shalt  }
0x41: {  	_ =	shalt  }
0x42: {  	_ =	shalt  }
0x43: {  	_ =	shalt  }
0x44: {  	_ =	shalt  }
0x45: {  	_ =	shalt  }
0x46: {  	_ =	shalt  }
0x47: {  	_ =	shalt  }
0x48: {  	_ =	shalt  }
0x49: {  	_ =	shalt  }
0x4a: {  	_ =	shalt  }
0x4b: {  	_ =	shalt  }
0x4c: {  	_ =	shalt  }
0x4d: {  	_ =	shalt  }
0x4e: {  	_ =	shalt  }
0x4f: {  	_ =	shalt  }
0x50: {  	_ =	shalt  }
0x51: {  	_ =	shalt  }
0x52: {  	_ =	shalt  }
0x53: {  	_ =	shalt  }
0x54: {  	_ =	shalt  }
0x55: {  	_ =	shalt  }
0x56: {  	_ =	shalt  }
0x57: {  	_ =	shalt  }
0x58: {  	_ =	shalt  }
0x59: {  	_ =	shalt  }
0x5a: {  	_ =	shalt  }
0x5b: {  	_ =	shalt  }
0x5c: {  	_ =	shalt  }
0x5d: {  	_ =	shalt  }
0x5e: {  	_ =	shalt  }
0x5f: {  	_ =	shalt  }
0x60: {  	_ =	shalt  }
0x61: {  	_ =	shalt  }
0x62: {  	_ =	shalt  }
0x63: {  	_ =	shalt  }
0x64: {  	_ =	shalt  }
0x65: {  	_ =	shalt  }
0x66: {  	_ =	shalt  }
0x67: {  	_ =	shalt  }
0x68: {  	_ =	shalt  }
0x69: {  	_ =	shalt  }
0x6a: {  	_ =	shalt  }
0x6b: {  	_ =	shalt  }
0x6c: {  	_ =	shalt  }
0x6d: {  	_ =	shalt  }
0x6e: {  	_ =	shalt  }
0x6f: {  	_ =	shalt  }
0x70: {  	_ =	shalt  }
0x71: {  	_ =	shalt  }
0x72: {  	_ =	shalt  }
0x73: {  	_ =	shalt  }
0x74: {  	_ =	shalt  }
0x75: {  	_ =	shalt  }
0x76: {  	_ =	shalt  }
0x77: {  	_ =	shalt  }
0x78: {  	_ =	shalt  }
0x79: {  	_ =	shalt  }
0x7a: {  	_ =	shalt  }
0x7b: {  	_ =	shalt  }
0x7c: {  	_ =	shalt  }
0x7d: {  	_ =	shalt  }
0x7e: {  	_ =	shalt  }
0x7f: {  	_ =	shalt  }
0x80: {  	_ =	shalt  }
0x81: {  	_ =	shalt  }
0x82: {  	_ =	shalt  }
0x83: {  	_ =	shalt  }
0x84: {  	_ =	shalt  }
0x85: {  	_ =	shalt  }
0x86: {  	_ =	shalt  }
0x87: {  	_ =	shalt  }
.Lfunc_end0:
.L_simem_size_0:
called_computation_lowered:
.L_overlay_start_0:
0x88: {  	s2 =	sld [smem:$0x3FD9]  }
0x89: {  	s3 =	sld [smem:$0x3FFE];
	_ =	sdelay $0x1  }
0x8a: {  	s1 =	srdreg.scid  }
0x8b: {  	s0 =	sand.u32 $0x1, s1  }
0x8c: {  	s17 =	sshll.u32 s0, $0xA;
	s2 =	sadd.s32 s3, s2  }
0x8d: {  	s2 =	sadd.s32 s2, s17  }
0x8e: {  	[smem:$0x3FBE] =	sst s2  }
0x8f: {  	_ = 	snop  }
0x90: {  	s2 =	sld [smem:$0x3FD0];
	(tm) =	ssettm $0x1  }
0x91: {  	s18 =	sld [smem:$0x3FFB];
	_ =	sdelay $0x3  }
0x92: {  	_ =	strace s18  }
0x93: {  	s3 =	sld [smem:$0x3FFC];
	_ =	sdelay $0x3  }
0x94: {  	_ =	strace s3  }
0x95: {  	s3 =	sld [smem:$0x3FFD];
	_ =	sdelay $0x3  }
0x96: {  	_ =	strace s3  }
0x97: {  	_ =	strace $0x8FFFFFFF  }
0x98: {  	s19 =	sld [smem:$0x3FDB];
	_ =	sdelay $0x1  }
0x99: {  	s4 =	simm.s32 $_scs_section_size  }
0x9a: {  	s5 =	simm.s32 $_size__tile_overlayer_lowered;
	s6 =	simm.s32 $_tile_overlayer_lowered  }
0x9b: {  	s22 =	simm.s32 $0x1BFF;
	s21 =	sshll.u32 s6, $0x1;
	s3 =	sadd.s32 s4, s19  }
0x9c: {  	s7 =	simm.s32 $0x0;
	s20 =	sshll.u32 s5, $0x1;
	s5 =	sadd.s32 s21, s3  }
0x9d: {  	[timem:s7], [sflag:s22] =	dma.local [hbm:s5], s20  }
0x9e: {  	_ =	swait.ge [sflag:s22], s20  }
0x9f: {  	s4 =	ssub.s32 $0x0, s20;
	[sflag:s22] =	ssyncset.done $0x0  }
0xa0: {  	[sflag:s22] =	ssyncadd.s32 s4;
	_ =	sdelay $0x1  }
0xa1: {  	s23 =	simm.s32 $0x1B8B  }
0xa2: {  	_ =	swait.ge [sflag:s23], $0x1  }
0xa3: {  	[sflag:s23] =	ssyncset.done $0x0  }
0xa4: {  	s25 =	simm.s32 $0x1B8E;
	s24 =	sld [smem:$0x3FFE];
	[sflag:s23] =	ssyncadd.s32 $0xFFFFFFFF  }
0xa5: {  	s26 =	simm.s32 $execute0_lowered;
	[smem:$0x3FD2] =	sst s25  }
0xa6: {  	s5 =	sshll.u32 s26, $0x1;
	_ =	strace $0x80000046;
	[dreg:$0x1] =	wrdreg $0xFFFFFFFF  }
0xa7: {  	s28 =	simm.s32 $_size_execute0_lowered;
	s3 =	sadd.s32 s3, s5;
	[dreg:$0x0] =	wrdreg $0x0  }
0xa8: {  	s5 =	sshll.u32 s28, $0x1;
	[dreg:$0x2] =	wrdreg s3  }
0xa9: {  	[dreg:$0x3] =	wrdreg s5  }
0xaa: {  	[dreg:$0x4] =	wrdreg $0xC0  }
0xab: {  	_ =	task [dreg:s7], $0x5FFFF  }
0xac: {  	[dreg:$0x1] =	wrdreg $0xFFFFFFFF  }
0xad: {  	[dreg:$0x0] =	wrdreg $0x60  }
0xae: {  	[dreg:$0x2] =	wrdreg s24  }
0xaf: {  	[dreg:$0x3] =	wrdreg s2  }
0xb0: {  	[dreg:$0x4] =	wrdreg $0x2E800  }
0xb1: {  	[dreg:$0x5] =	wrdreg $0x30F80  }
0xb2: {  	[dreg:$0x6] =	wrdreg $0x9  }
0xb3: {  	_ =	task.clear_ibuf [dreg:s7], $0x7FFFF;
	_ =	strace $0x90000046  }
0xb4: {  	s29 =	simm.s32 $0x9;
	_ =	strace $0x80000048  }
0xb5: {  	_ =	swait.ge [sflag:s29], $0x1  }
0xb6: {  	[sflag:s29] =	ssyncadd.s32 $0xFFFFFFFF  }
0xb7: {  	_ =	strace $0x90000048  }
0xb8: {  	_ =	sfence  }
0xb9: {  	s30 =	sld [smem:$0x0];
	_ =	sdelay $0x2  }
0xba: {  	s31 =	sshll.u32 s1, $0xD;
	s1 =	sshrl.u32 s1, $0x2  }
0xbb: {  	s3 =	sand.u32 $0x4000, s31;
	s1 =	sadd.s32 s1, s30  }
0xbc: {  	s0 =	sor.u32 s3, s0;
	s1 =	sshll.u32 s1, $0x11  }
0xbd: {  	s0 =	sor.u32 s1, s0  }
0xbe: {  	s0 =	sadd.s32 $0x8F2B, s0  }
0xbf: {  	[sflag:s0] =	ssyncadd.remote.s32 $0x1  }
0xc0: {  	_ =	sfence.sel $0xFFFF  }
0xc1: {  	[dreg:$0x0] =	wrdreg $0xFFFFFFFF;
	(pc) =	sbr.abs _section_cstart, $3  }
0xc2: {  	[dreg:$0x1] =	wrdreg $0xFFFFFFFF  }
0xc3: {  	_ =	task.clear_ibuf [dreg:s7], $0x2FFFF;
	_ =	strace $0x9FFFFFFF  }
0xc4: {  	(tm) =	ssettm $0x7FFFFFFF  }
0xc5: {  	_ =	shalt  }
tec
execute0_lowered:
.L_overlay_start_1:
0x0: {  	(tag) =	ssettag $0x1  }
0x1: {  	s4 =	rddreg [dreg:$0x0]  }
0x2: {  	s5 =	rddreg [dreg:$0x1]  }
0x3: {  	s1 =	rddreg [dreg:$0x2]  }
0x4: {  	s2 =	rddreg [dreg:$0x3]  }
0x5: {  	s0 =	rddreg [dreg:$0x4]  }
0x6: {  	s3 =	simm.s32 $0x0;
	s6 =	srdreg.scid;
	s9 =	stileid.u32  }
0x7: {  	s13 =	simm.s32 $0x0;
	[smem:$0x7FF] =	sst s3;
	s6 =	sand.u32 $0x1, s6  }
0x8: {  	s8 =	sadd.s32 $0x2600, s4;
	s28 =	smul.u32 $0x4E20, s9;
	p0 =	sne.s32 s9, $0x0  }
0x9: {  	s9 =	simm.s32 $0x700;
	s7 =	smul.u32 $0x9C400, s6;
	_ =	strace $0x80000047  }
0xa: {  	s10 =	ssub.s32 $0x2, s6;
	s11 =	sshllo.u32 s6, $0x1;
	s6 =	smul.u32 $0x9C4, s6  }
0xb: {  	s12 =	sshrl.u32 s10, $0x1;
	s11 =	smul.u32 $0x4E2, s11;
	s7 =	sadd.s32 s28, s7  }
0xc: {  	s10 =	ssub.s32 s10, s12;
	s4 =	sadd.s32 s5, s6;
	s12 =	simm.s32 $0x380  }
0xd: {  	s29 =	sadd.s32 $0x4E200, s7;
	s5 =	sadd.s32 s5, s11;
	s31 =	sshrl.u32 s7, $0x3  }
0xe: {  	s6 =	smax.u32 s10, $0x1;
	s10 =	simm.s32 $0x1;
	s30 =	sshrl.u32 s29, $0x3  }
0xf: {  	v0 =	vimm.f32 $1.000000000e+00;
	v1 =	vimm.f32 $0.0e+00;
	s11 =	simm.s32 $0x320;
	s7 =	sadd.s32 s30, s8;
	s8 =	sadd.s32 s31, s8  }
.LBB2_1:
0x10: {  	s14 =	simm.s32 $0x40;
	s15 =	simm.s32 $0x0  }
.LBB2_2:
0x11: {  	p1 =	sne.s32 s14, $0xC40;
	[tilespmem:s15+$0x380] =	vst v0;
	s15 =	smov.u32 s14;
	s14 =	sadd.s32 $0x40, s14  }
.Ltmp0:
0x12: {  	(pc) =	sbr.rel @p1 .LBB2_2-.Ltmp0, $2  }
0x13: {  	_ =	sdelay $0x2  }
0x14: {  	s15 =	sshra.s32 s15, $0x2  }
.Ltmp1:
0x15: {  	(pc) =	sbr.rel @p0 .LBB2_7-.Ltmp1, $2  }
0x16: {  	_ =	sdelay $0x2  }
0x17: {  	[tilespmem:s15+$0x380] =	vst v0  }
0x18: {  	s14 =	simm.s32 $0x40;
	s15 =	simm.s32 $0x0  }
.LBB2_5:
0x19: {  	p1 =	sne.s32 s14, $0x9C00;
	[tilespmem:s15+$0x700] =	vst v1;
	s15 =	smov.u32 s14;
	s14 =	sadd.s32 $0x40, s14  }
.Ltmp2:
0x1a: {  	(pc) =	sbr.rel @p1 .LBB2_5-.Ltmp2, $2  }
0x1b: {  	_ =	sdelay $0x2  }
0x1c: {  	s15 =	sshra.s32 s15, $0x2  }
0x1d: {  	[tilespmem:s15+$0x700] =	vst v1  }
0x1e: {  	[spmem:s1] =	stream.linear.scatter [tilespmem:s9], [sflag:$0x1], $0x2780, $0x38;
	[tilespmem:$0x3370] =	vst v63  }
0x1f: {  	_ =	swait.ge [sflag:s10], $0x2780  }
0x20: {  	[sflag:s10] =	ssyncset.done $0x0  }
0x21: {  	[sflag:s10] =	ssyncadd.s32 $0xFFFFD880  }
0x22: {  	[spmem:s2] =	stream.linear.scatter [tilespmem:s9], [sflag:$0x1], $0x2780, $0x38;
	[tilespmem:$0x3370] =	vst v63  }
0x23: {  	_ =	swait.ge [sflag:s10], $0x2780  }
0x24: {  	[sflag:s10] =	ssyncset.done $0x0  }
0x25: {  	[sflag:s10] =	ssyncadd.s32 $0xFFFFD880  }
.LBB2_7:
0x26: {  	[bflag:$0x0] =	sbarrier.arrive $0xFFFF;
	s14 =	sadd.s32 $0x0, s8  }
0x27: {  	[tilespmem:s3], [sflag:$0x1] =	stream.linear.gather [hbm4b:s14+s3], $0x320, $0x38;
	[tilespmem:$0x3370] =	vst v63  }
0x28: {  	_ =	swait.ge [sflag:s10], $0x320  }
0x29: {  	[sflag:s10] =	ssyncset.done $0x0  }
0x2a: {  	[sflag:s10] =	ssyncadd.s32 $0xFFFFFCE0  }
0x2b: {  	[spmem:s1] =	stream.indirect.scatter.add.f32 [tilespmem:s12], [sflag:$0x1], $0x1, s3, s11, $0xb8;
	[tilespmem:$0x3370] =	vst v63  }
0x2c: {  	_ =	swait.ge [sflag:s10], $0x320  }
0x2d: {  	[sflag:s10] =	ssyncset.done $0x0  }
0x2e: {  	s31 =	sadd.s32 $0x0, s7;
	[sflag:s10] =	ssyncadd.s32 $0xFFFFFCE0  }
0x2f: {  	[tilespmem:s3], [sflag:$0x1] =	stream.linear.gather [hbm4b:s31+s3], $0x320, $0x38;
	[tilespmem:$0x3370] =	vst v63  }
0x30: {  	_ =	swait.ge [sflag:s10], $0x320  }
0x31: {  	[sflag:s10] =	ssyncset.done $0x0  }
0x32: {  	[sflag:s10] =	ssyncadd.s32 $0xFFFFFCE0  }
0x33: {  	[spmem:s2] =	stream.indirect.scatter.add.f32 [tilespmem:s12], [sflag:$0x1], $0x1, s3, s11, $0xb8;
	[tilespmem:$0x3370] =	vst v63  }
0x34: {  	_ =	swait.ge [sflag:s10], $0x320  }
0x35: {  	s15 =	simm.s32 $0xC8;
	s14 =	simm.s32 $0x64;
	[sflag:s10] =	ssyncset.done $0x0  }
.LBB2_8:
0x36: {  	s16 =	sadd.s32 s14, s8  }
0x37: {  	[sflag:s10] =	ssyncadd.s32 $0xFFFFFCE0;
	s17 =	smov.u32 s15;
	s18 =	sadd.s32 $0x64, s15  }
0x38: {  	[tilespmem:s3], [sflag:$0x1] =	stream.linear.gather [hbm4b:s16+s3], $0x320, $0x38;
	[tilespmem:$0x3370] =	vst v63  }
0x39: {  	p1 =	sne.s32 s15, $0x960;
	_ =	swait.ge [sflag:s10], $0x320  }
0x3a: {  	[sflag:s10] =	ssyncset.done $0x0  }
0x3b: {  	[sflag:s10] =	ssyncadd.s32 $0xFFFFFCE0  }
0x3c: {  	[spmem:s1] =	stream.indirect.scatter.add.f32 [tilespmem:s12], [sflag:$0x1], $0x1, s3, s11, $0xb8;
	[tilespmem:$0x3370] =	vst v63  }
0x3d: {  	_ =	swait.ge [sflag:s10], $0x320  }
0x3e: {  	[sflag:s10] =	ssyncset.done $0x0  }
0x3f: {  	s15 =	sadd.s32 s14, s7;
	s14 =	smov.u32 s17;
	[sflag:s10] =	ssyncadd.s32 $0xFFFFFCE0  }
0x40: {  	[tilespmem:s3], [sflag:$0x1] =	stream.linear.gather [hbm4b:s15+s3], $0x320, $0x38;
	[tilespmem:$0x3370] =	vst v63  }
0x41: {  	_ =	swait.ge [sflag:s10], $0x320  }
.Ltmp3:
0x42: {  	[sflag:s10] =	ssyncset.done $0x0;
	(pc) =	sbr.rel @p1 .LBB2_8-.Ltmp3, $4  }
0x43: {  	[sflag:s10] =	ssyncadd.s32 $0xFFFFFCE0  }
0x44: {  	[spmem:s2] =	stream.indirect.scatter.add.f32 [tilespmem:s12], [sflag:$0x1], $0x1, s3, s11, $0xb8;
	[tilespmem:$0x3370] =	vst v63  }
0x45: {  	_ =	swait.ge [sflag:s10], $0x320  }
0x46: {  	s15 =	smov.u32 s18;
	[sflag:s10] =	ssyncset.done $0x0  }
0x47: {  	s15 =	sadd.s32 s14, s8;
	[sflag:s10] =	ssyncadd.s32 $0xFFFFFCE0  }
0x48: {  	[tilespmem:s3], [sflag:$0x1] =	stream.linear.gather [hbm4b:s15+s3], $0x320, $0x38;
	[tilespmem:$0x3370] =	vst v63  }
0x49: {  	_ =	swait.ge [sflag:s10], $0x320  }
0x4a: {  	[sflag:s10] =	ssyncset.done $0x0  }
0x4b: {  	[sflag:s10] =	ssyncadd.s32 $0xFFFFFCE0  }
0x4c: {  	[spmem:s1] =	stream.indirect.scatter.add.f32 [tilespmem:s12], [sflag:$0x1], $0x1, s3, s11, $0xb8;
	[tilespmem:$0x3370] =	vst v63  }
0x4d: {  	_ =	swait.ge [sflag:s10], $0x320  }
0x4e: {  	[sflag:s10] =	ssyncset.done $0x0  }
0x4f: {  	s31 =	sadd.s32 s14, s7;
	[sflag:s10] =	ssyncadd.s32 $0xFFFFFCE0  }
0x50: {  	[tilespmem:s3], [sflag:$0x1] =	stream.linear.gather [hbm4b:s31+s3], $0x320, $0x38;
	[tilespmem:$0x3370] =	vst v63  }
0x51: {  	_ =	swait.ge [sflag:s10], $0x320  }
0x52: {  	[sflag:s10] =	ssyncset.done $0x0  }
0x53: {  	[sflag:s10] =	ssyncadd.s32 $0xFFFFFCE0  }
0x54: {  	[spmem:s2] =	stream.indirect.scatter.add.f32 [tilespmem:s12], [sflag:$0x1], $0x1, s3, s11, $0xb8;
	[tilespmem:$0x3370] =	vst v63  }
0x55: {  	_ =	swait.ge [sflag:s10], $0x320  }
0x56: {  	[sflag:s10] =	ssyncset.done $0x0  }
0x57: {  	[sflag:s10] =	ssyncadd.s32 $0xFFFFFCE0  }
0x58: {  	s14 =	simm.s32 @!p0 $0x700;
	s15 =	simm.s32 @!p0 $0x1;
	[bflag:$0x0] =	sbarrier.arrive $0xFFFF  }
0x59: {  	[tilespmem:s14], [sflag:$0x1] =	stream.linear.gather @!p0 [spmem:s1], $0x2780, $0x38;
	[tilespmem:$0x3370] =	vst v63  }
0x5a: {  	_ =	swait.ge @!p0 [sflag:s15], $0x2780  }
0x5b: {  	[sflag:s15] =	ssyncset.done @!p0 $0x0  }
0x5c: {  	s16 =	simm.s32 @!p0 $0x0;
	[sflag:s15] =	ssyncadd.s32 @!p0 $0xFFFFD880  }
0x5d: {  	[hbm4b:s4+s16] =	stream.linear.scatter @!p0 [tilespmem:s14], [sflag:$0x1], $0x2710, $0x38;
	[tilespmem:$0x3370] =	vst v63  }
0x5e: {  	_ =	swait.ge @!p0 [sflag:s15], $0x2710  }
0x5f: {  	[sflag:s15] =	ssyncset.done @!p0 $0x0  }
0x60: {  	[sflag:s15] =	ssyncadd.s32 @!p0 $0xFFFFD8F0  }
0x61: {  	[tilespmem:s14], [sflag:$0x1] =	stream.linear.gather @!p0 [spmem:s2], $0x2780, $0x38;
	[tilespmem:$0x3370] =	vst v63  }
0x62: {  	s13 =	sadd.s32 $0x1, s13;
	_ =	swait.ge @!p0 [sflag:s15], $0x2780  }
0x63: {  	p1 =	sne.s32 s13, s6;
	[sflag:s15] =	ssyncset.done @!p0 $0x0  }
.Ltmp4:
0x64: {  	[sflag:s15] =	ssyncadd.s32 @!p0 $0xFFFFD880;
	(pc) =	sbr.rel @p1 .LBB2_1-.Ltmp4, $4  }
0x65: {  	[hbm4b:s5+s16] =	stream.linear.scatter @!p0 [tilespmem:s14], [sflag:$0x1], $0x2710, $0x38;
	[tilespmem:$0x3370] =	vst v63  }
0x66: {  	_ =	swait.ge @!p0 [sflag:s15], $0x2710  }
0x67: {  	[sflag:s15] =	ssyncset.done @!p0 $0x0  }
0x68: {  	[sflag:s15] =	ssyncadd.s32 @!p0 $0xFFFFD8F0  }
0x69: {  	_ =	sfence.sel $0x180000  }
0x6a: {  	[bflag:$0x0] =	sbarrier.arrive $0xFFFF  }
0x6b: {  	_ =	strace $0x90000047  }
0x6c: {  	s0 =	sadd.s32 @!p0 $0x100000, s0;
	[bflag:$0x2] =	sbarrier.arrive $0xFFFF  }
0x6d: {  	[sflag:s0] =	ssyncadd.tile.s32 @!p0 $0x1;
	_ =	shalt  }
.Lfunc_end2:
_tile_overlayer_lowered:
.L_overlay_start_2:
0x6e: {  	(tag) =	ssettag $0x2  }
0x6f: {  	s0 =	rddreg [dreg:$0x0];
	s2 =	stileid.u32  }
0x70: {  	s1 =	rddreg [dreg:$0x1];
	p0 =	sne.s32 s2, $0x0  }
0x71: {  	s3 =	rddreg [dreg:$0x2];
	[bflag:$0x3] =	sbarrier.arrive $0xFFFF;
	s2 =	simm.s32 @!p0 $0x1C01  }
0x72: {  	[timem:s3], [sflag:s2] =	dma.local @!p0 [hbm:s0], s1  }
0x73: {  	s0 =	simm.s32 @!p0 $0x1  }
0x74: {  	_ =	swait.ge @!p0 [sflag:s0], s1  }
0x75: {  	s1 =	ssub.s32 @!p0 $0x0, s1;
	[sflag:s0] =	ssyncset.done @!p0 $0x0  }
0x76: {  	[sflag:s0] =	ssyncadd.s32 @!p0 s1  }
0x77: {  	[bflag:$0x3] =	sbarrier.arrive $0xFFFF  }
0x78: {  	_ =	shalt  }

</sc_bundles>
